<compile_context>
chip_gen: v7x
topology: tpu7x:2x2x1
jax: 0.10.2.dev20260603
libtpu: 0.0.44.dev20260713+nightly
codegen_flags: <defaults>
</compile_context>

<pallas_src>
import functools

import jax
import jax.numpy as jnp
from jax import lax
from jax.experimental import pallas as pl
from jax.experimental.pallas import tpu as pltpu
from jax.experimental.pallas import tpu_sc as plsc

N = 10000
E = 100000
IN = 128
OUT = 128
R = 3
NC = 2
NT = 16
NW = NC * NT
GROUP = 64
NBUF = 4
CH = 8
NCHUNK = 19
NGRP = CH * NCHUNK
EPAD = NW * NGRP * GROUP
ROWS_PAD = 10112
ROWS_PER_TILE = ROWS_PAD // NT

_BM = 5000


def _tc_matmul_body(x_ref, w_ref, y_ref):
    for r in range(R):
        y_ref[r] = jnp.dot(x_ref[...], w_ref[r], preferred_element_type=jnp.float32)


def _tc_matmul(x, weight):
    y = pl.pallas_call(
        _tc_matmul_body,
        grid=(N // _BM,),
        in_specs=[
            pl.BlockSpec((_BM, IN), lambda i: (i, 0)),
            pl.BlockSpec((R, IN, OUT), lambda i: (0, 0, 0)),
        ],
        out_specs=pl.BlockSpec((R, _BM, OUT), lambda i: (0, i, 0)),
        out_shape=jax.ShapeDtypeStruct((R, N, OUT), jnp.float32),
    )(x, weight)
    return y.reshape(R * N, OUT)


def _sc_scatter_body(ytab_hbm, isrc_hbm, idst_hbm, out_hbm,
                     s0_v, s1_v, d0_v, d1_v, b0, b1, b2, b3, agg_sp,
                     g0, g1, g2, g3, si0, si1, di0, di1):
    c = lax.axis_index("c")
    s = lax.axis_index("s")
    w = c * NT + s
    sbuf = (s0_v, s1_v)
    dbuf = (d0_v, d1_v)
    bufs = (b0, b1, b2, b3)
    gsem = (g0, g1, g2, g3)
    isem = (si0, si1)
    dsem = (di0, di1)

    def load_idx_chunk(k, ring, wait):
        src_hbm = isrc_hbm.at[w, pl.ds(k * CH, CH)]
        dst_hbm = idst_hbm.at[w, pl.ds(k * CH, CH)]
        if wait:
            pltpu.sync_copy(src_hbm, sbuf[ring])
            pltpu.sync_copy(dst_hbm, dbuf[ring])
        else:
            pltpu.async_copy(src_hbm, sbuf[ring], isem[ring])
            pltpu.async_copy(dst_hbm, dbuf[ring], dsem[ring])

    def wait_idx_chunk(ring):
        pltpu.make_async_copy(isrc_hbm.at[w, pl.ds(0, CH)], sbuf[ring], isem[ring]).wait()
        pltpu.make_async_copy(idst_hbm.at[w, pl.ds(0, CH)], dbuf[ring], dsem[ring]).wait()

    def fire_gather(b, ring, grp):
        pltpu.async_copy(ytab_hbm.at[sbuf[ring].at[grp]], bufs[b], gsem[b])

    def wait_gather(b):
        pltpu.make_async_copy(ytab_hbm.at[sbuf[0].at[0]], bufs[b], gsem[b]).wait()

    zval = jnp.zeros((16,), jnp.float32)

    def zero_row(i, carry):
        for j in range(OUT // 16):
            b0[i, pl.ds(j * 16, 16)] = zval
        return carry

    lax.fori_loop(0, GROUP, zero_row, 0)

    load_idx_chunk(0, 0, wait=True)
    for b in range(1, NBUF):
        fire_gather(b, 0, b)
    load_idx_chunk(1, 1, wait=False)
    row0 = s * ROWS_PER_TILE
    for k in range(ROWS_PER_TILE // GROUP):
        pltpu.sync_copy(b0, agg_sp.at[pl.ds(row0 + k * GROUP, GROUP)])
    rem = ROWS_PER_TILE % GROUP
    if rem:
        pltpu.sync_copy(b0.at[pl.ds(0, rem)],
                        agg_sp.at[pl.ds(row0 + (ROWS_PER_TILE // GROUP) * GROUP, rem)])
    fire_gather(0, 0, 0)
    plsc.subcore_barrier()

    def body(k, carry):
        p = lax.rem(k, 2)
        q = lax.rem(k + 1, 2)

        def on_ring(ring_p, ring_q):
            @pl.when(k + 1 < NCHUNK)
            def _():
                wait_idx_chunk(ring_q)
            for b in range(NBUF):
                wait_gather(b)
                pltpu.sync_copy(bufs[b], agg_sp.at[dbuf[ring_p].at[b]], add=True)
                fire_gather(b, ring_p, NBUF + b)
            for b in range(NBUF):
                wait_gather(b)
                pltpu.sync_copy(bufs[b], agg_sp.at[dbuf[ring_p].at[NBUF + b]], add=True)

                @pl.when(k + 1 < NCHUNK)
                def _():
                    fire_gather(b, ring_q, b)

            @pl.when(k + 2 < NCHUNK)
            def _():
                load_idx_chunk(k + 2, ring_p, wait=False)

        @pl.when(p == 0)
        def _():
            on_ring(0, 1)

        @pl.when(p == 1)
        def _():
            on_ring(1, 0)
        return carry

    lax.fori_loop(0, NCHUNK, body, 0)
    plsc.subcore_barrier()
    pltpu.sync_copy(agg_sp.at[pl.ds(row0, ROWS_PER_TILE)],
                    out_hbm.at[c, pl.ds(row0, ROWS_PER_TILE)])


_sc_scatter = functools.partial(
    pl.kernel,
    out_type=jax.ShapeDtypeStruct((NC, ROWS_PAD, OUT), jnp.float32),
    mesh=plsc.VectorSubcoreMesh(core_axis_name="c", subcore_axis_name="s"),
    scratch_types=[
        pltpu.VMEM((CH, GROUP), jnp.int32),
        pltpu.VMEM((CH, GROUP), jnp.int32),
        pltpu.VMEM((CH, GROUP), jnp.int32),
        pltpu.VMEM((CH, GROUP), jnp.int32),
        pltpu.VMEM((GROUP, OUT), jnp.float32),
        pltpu.VMEM((GROUP, OUT), jnp.float32),
        pltpu.VMEM((GROUP, OUT), jnp.float32),
        pltpu.VMEM((GROUP, OUT), jnp.float32),
        pltpu.VMEM_SHARED((ROWS_PAD, OUT), jnp.float32),
        pltpu.SemaphoreType.DMA,
        pltpu.SemaphoreType.DMA,
        pltpu.SemaphoreType.DMA,
        pltpu.SemaphoreType.DMA,
        pltpu.SemaphoreType.DMA,
        pltpu.SemaphoreType.DMA,
        pltpu.SemaphoreType.DMA,
        pltpu.SemaphoreType.DMA,
    ],
)(_sc_scatter_body)


def kernel(x, edge_index_r0, edge_index_r1, edge_index_r2, weight, h_bias):
    ytab = _tc_matmul(x, weight)

    gidx = jnp.concatenate([
        edge_index_r0[0],
        edge_index_r1[0] + N,
        edge_index_r2[0] + 2 * N,
    ])
    dst = jnp.concatenate([edge_index_r0[1], edge_index_r1[1], edge_index_r2[1]])
    pad = EPAD - R * E
    pad_iota = jax.lax.iota(jnp.int32, pad)
    gidx = jnp.concatenate([gidx, pad_iota % (R * N)])
    dst = jnp.concatenate([dst, N + pad_iota % (ROWS_PAD - N)])
    isrc = gidx.reshape(NW, NGRP, GROUP)
    idst = dst.reshape(NW, NGRP, GROUP)

    agg = _sc_scatter(ytab, isrc, idst)
    return agg[0, :N] + agg[1, :N] + h_bias

# --- scband reference (transcript-rebuilt; emitter-appended) ---
"""Pipeline reference for scband-rel-graph-conv-layer-hetero-api-1331439862165 (READ-ONLY COPY).

The authoritative reference and input builder live on the scoring server;
editing this copy changes nothing except your own understanding.
"""

import jax, jax.numpy as jnp
import numpy as np

N, E, IN, OUT, R = 10000, 100000, 128, 128, 3

def setup_inputs(seed: int = 0):
    key = jax.random.key(seed)
    k1, k2, k3, k4, k5 = jax.random.split(key, 5)
    x = jax.random.normal(k1, (N, IN), dtype=jnp.float32)
    edge_index_r0 = jax.random.randint(k2, (2, E), 0, N, dtype=jnp.int32)
    edge_index_r1 = jax.random.randint(k3, (2, E), 0, N, dtype=jnp.int32)
    edge_index_r2 = jax.random.randint(k4, (2, E), 0, N, dtype=jnp.int32)
    # xavier_uniform with relu gain, per-relation weight [R, IN, OUT]
    gain = np.sqrt(2.0)
    bound = gain * np.sqrt(6.0 / (IN + OUT))
    weight = jax.random.uniform(k5, (R, IN, OUT), minval=-bound, maxval=bound, dtype=jnp.float32)
    h_bias = jnp.zeros((OUT,), dtype=jnp.float32)
    return {"x": x, "edge_index_r0": edge_index_r0, "edge_index_r1": edge_index_r1, "edge_index_r2": edge_index_r2, "weight": weight, "h_bias": h_bias}

def reference(x, edge_index_r0, edge_index_r1, edge_index_r2, weight, h_bias):
    # Faithful translation of RelGraphConvLayerHeteroAPI.forward (single node type,
    # 3 relations, no basis decomposition since num_bases == len(rel_names)):
    # per relation: gather src features (copy_u), per-edge matmul with relation
    # weight (h*w_r), scatter-sum messages to dst (update_all sum), then bias.
    # activation=None, self_loop=False, dropout eval-mode identity.
    out = jnp.zeros((x.shape[0], weight.shape[2]), dtype=x.dtype)
    edges = (edge_index_r0, edge_index_r1, edge_index_r2)
    for i in range(len(edges)):
        src = edges[i][0]
        dst = edges[i][1]
        m = jnp.take(x, src, axis=0)           # copy_u: gather [E, IN]
        hwr = jnp.matmul(m, weight[i])          # per-edge transform [E, OUT]
        out = out.at[dst].add(hwr)              # fn.sum scatter-add
    out = out + h_bias
    return out

if __name__ == "__main__":
    import jax
    _d = setup_inputs()
    print(jax.jit(kernel)(*tuple(_d.values())))

</pallas_src>

<mosaic_0001>
#map = affine_map<(d0, d1) -> (0, 0)>
#map1 = affine_map<(d0, d1) -> (0, 0, 0)>
module attributes {stable_mosaic.version = 14 : i64} {
  func.func @_sc_scatter_body(%arg0: i32, %arg1: i32, %arg2: memref<30000x128xf32, #tpu.memory_space<hbm>>, %arg3: memref<32x152x64xi32, #tpu.memory_space<hbm>>, %arg4: memref<32x152x64xi32, #tpu.memory_space<hbm>>, %arg5: memref<2x10112x128xf32, #tpu.memory_space<hbm>>, %arg6: memref<8x64xi32, #tpu.memory_space<vmem>>, %arg7: memref<8x64xi32, #tpu.memory_space<vmem>>, %arg8: memref<8x64xi32, #tpu.memory_space<vmem>>, %arg9: memref<8x64xi32, #tpu.memory_space<vmem>>, %arg10: memref<64x128xf32, #tpu.memory_space<vmem>>, %arg11: memref<64x128xf32, #tpu.memory_space<vmem>>, %arg12: memref<64x128xf32, #tpu.memory_space<vmem>>, %arg13: memref<64x128xf32, #tpu.memory_space<vmem>>, %arg14: memref<10112x128xf32, #tpu.memory_space<vmem_shared>>, %arg15: memref<!tpu.dma_semaphore, #tpu.memory_space<semaphore_mem>>, %arg16: memref<!tpu.dma_semaphore, #tpu.memory_space<semaphore_mem>>, %arg17: memref<!tpu.dma_semaphore, #tpu.memory_space<semaphore_mem>>, %arg18: memref<!tpu.dma_semaphore, #tpu.memory_space<semaphore_mem>>, %arg19: memref<!tpu.dma_semaphore, #tpu.memory_space<semaphore_mem>>, %arg20: memref<!tpu.dma_semaphore, #tpu.memory_space<semaphore_mem>>, %arg21: memref<!tpu.dma_semaphore, #tpu.memory_space<semaphore_mem>>, %arg22: memref<!tpu.dma_semaphore, #tpu.memory_space<semaphore_mem>>) attributes {dimension_semantics = [#tpu.dimension_semantics<core_parallel>, #tpu.dimension_semantics<subcore_parallel>], iteration_bounds = array<i64: 2, 16>, scalar_prefetch = 0 : i64, scratch_operands = 17 : i64, tpu.core_type = #tpu.core_type<sc_vector_subcore>, window_params = [{transform_indices = #map}, {transform_indices = #map1}, {transform_indices = #map1}, {transform_indices = #map1}]} {
    %mul3A = arith.constant 16 : i32
    %mul3A_0 = arith.muli %arg0, %mul3A : i32
    %add3A = arith.addi %mul3A_0, %arg1 : i32
    %broadcast_in_dim3A = arith.constant 0.000000e+00 : f32
    %broadcast_in_dim3A_1 = vector.broadcast %broadcast_in_dim3A : f32 to vector<16xf32>
    %scan3A = arith.constant 0 : i32
    %scan3A_2 = arith.constant 0 : i32
    %scan3A_3 = arith.constant 64 : i32
    %scan3A_4 = arith.addi %scan3A_2, %scan3A_3 : i32
    %scan3A_5 = arith.constant 1 : i32
    scf.for %scan3A_79 = %scan3A_2 to %scan3A_4 step %scan3A_5  : i32 {
      %swap3A = arith.index_cast %scan3A_79 : i32 to index
      %swap3A_80 = arith.constant 0 : index
      %swap3A_81 = tpu.vector_load %arg10[%swap3A, %swap3A_80] {strides = array<i32>} : memref<64x128xf32, #tpu.memory_space<vmem>>, vector<1x16xf32>,
      %swap3A_82 = vector.shape_cast %swap3A_81 : vector<1x16xf32> to vector<16xf32>
      %swap3A_83 = vector.shape_cast %broadcast_in_dim3A_1 : vector<16xf32> to vector<1x16xf32>
      tpu.vector_store %arg10[%swap3A, %swap3A_80], %swap3A_83 {strides = array<i32>} : memref<64x128xf32, #tpu.memory_space<vmem>>, vector<1x16xf32>,
      %swap3A_84 = arith.index_cast %scan3A_79 : i32 to index
      %swap3A_85 = arith.constant 16 : index
      %swap3A_86 = tpu.vector_load %arg10[%swap3A_84, %swap3A_85] {strides = array<i32>} : memref<64x128xf32, #tpu.memory_space<vmem>>, vector<1x16xf32>,
      %swap3A_87 = vector.shape_cast %swap3A_86 : vector<1x16xf32> to vector<16xf32>
      %swap3A_88 = vector.shape_cast %broadcast_in_dim3A_1 : vector<16xf32> to vector<1x16xf32>
      tpu.vector_store %arg10[%swap3A_84, %swap3A_85], %swap3A_88 {strides = array<i32>} : memref<64x128xf32, #tpu.memory_space<vmem>>, vector<1x16xf32>,
      %swap3A_89 = arith.index_cast %scan3A_79 : i32 to index
      %swap3A_90 = arith.constant 32 : index
      %swap3A_91 = tpu.vector_load %arg10[%swap3A_89, %swap3A_90] {strides = array<i32>} : memref<64x128xf32, #tpu.memory_space<vmem>>, vector<1x16xf32>,
      %swap3A_92 = vector.shape_cast %swap3A_91 : vector<1x16xf32> to vector<16xf32>
      %swap3A_93 = vector.shape_cast %broadcast_in_dim3A_1 : vector<16xf32> to vector<1x16xf32>
      tpu.vector_store %arg10[%swap3A_89, %swap3A_90], %swap3A_93 {strides = array<i32>} : memref<64x128xf32, #tpu.memory_space<vmem>>, vector<1x16xf32>,
      %swap3A_94 = arith.index_cast %scan3A_79 : i32 to index
      %swap3A_95 = arith.constant 48 : index
      %swap3A_96 = tpu.vector_load %arg10[%swap3A_94, %swap3A_95] {strides = array<i32>} : memref<64x128xf32, #tpu.memory_space<vmem>>, vector<1x16xf32>,
      %swap3A_97 = vector.shape_cast %swap3A_96 : vector<1x16xf32> to vector<16xf32>
      %swap3A_98 = vector.shape_cast %broadcast_in_dim3A_1 : vector<16xf32> to vector<1x16xf32>
      tpu.vector_store %arg10[%swap3A_94, %swap3A_95], %swap3A_98 {strides = array<i32>} : memref<64x128xf32, #tpu.memory_space<vmem>>, vector<1x16xf32>,
      %swap3A_99 = arith.index_cast %scan3A_79 : i32 to index
      %swap3A_100 = arith.constant 64 : index
      %swap3A_101 = tpu.vector_load %arg10[%swap3A_99, %swap3A_100] {strides = array<i32>} : memref<64x128xf32, #tpu.memory_space<vmem>>, vector<1x16xf32>,
      %swap3A_102 = vector.shape_cast %swap3A_101 : vector<1x16xf32> to vector<16xf32>
      %swap3A_103 = vector.shape_cast %broadcast_in_dim3A_1 : vector<16xf32> to vector<1x16xf32>
      tpu.vector_store %arg10[%swap3A_99, %swap3A_100], %swap3A_103 {strides = array<i32>} : memref<64x128xf32, #tpu.memory_space<vmem>>, vector<1x16xf32>,
      %swap3A_104 = arith.index_cast %scan3A_79 : i32 to index
      %swap3A_105 = arith.constant 80 : index
      %swap3A_106 = tpu.vector_load %arg10[%swap3A_104, %swap3A_105] {strides = array<i32>} : memref<64x128xf32, #tpu.memory_space<vmem>>, vector<1x16xf32>,
      %swap3A_107 = vector.shape_cast %swap3A_106 : vector<1x16xf32> to vector<16xf32>
      %swap3A_108 = vector.shape_cast %broadcast_in_dim3A_1 : vector<16xf32> to vector<1x16xf32>
      tpu.vector_store %arg10[%swap3A_104, %swap3A_105], %swap3A_108 {strides = array<i32>} : memref<64x128xf32, #tpu.memory_space<vmem>>, vector<1x16xf32>,
      %swap3A_109 = arith.index_cast %scan3A_79 : i32 to index
      %swap3A_110 = arith.constant 96 : index
      %swap3A_111 = tpu.vector_load %arg10[%swap3A_109, %swap3A_110] {strides = array<i32>} : memref<64x128xf32, #tpu.memory_space<vmem>>, vector<1x16xf32>,
      %swap3A_112 = vector.shape_cast %swap3A_111 : vector<1x16xf32> to vector<16xf32>
      %swap3A_113 = vector.shape_cast %broadcast_in_dim3A_1 : vector<16xf32> to vector<1x16xf32>
      tpu.vector_store %arg10[%swap3A_109, %swap3A_110], %swap3A_113 {strides = array<i32>} : memref<64x128xf32, #tpu.memory_space<vmem>>, vector<1x16xf32>,
      %swap3A_114 = arith.index_cast %scan3A_79 : i32 to index
      %swap3A_115 = arith.constant 112 : index
      %swap3A_116 = tpu.vector_load %arg10[%swap3A_114, %swap3A_115] {strides = array<i32>} : memref<64x128xf32, #tpu.memory_space<vmem>>, vector<1x16xf32>,
      %swap3A_117 = vector.shape_cast %swap3A_116 : vector<1x16xf32> to vector<16xf32>
      %swap3A_118 = vector.shape_cast %broadcast_in_dim3A_1 : vector<16xf32> to vector<1x16xf32>
      tpu.vector_store %arg10[%swap3A_114, %swap3A_115], %swap3A_118 {strides = array<i32>} : memref<64x128xf32, #tpu.memory_space<vmem>>, vector<1x16xf32>,
    }
    %scan3A_6 = arith.constant 64 : i32
    "tpu.region"() ({
      %run_scoped3A = tpu.sem_alloc : memref<!tpu.dma_semaphore, #tpu.memory_space<semaphore_mem>>
      %dma_start3A_79 = arith.constant 0 : i32
      %dma_start3A_80 = arith.constant 0 : i32
      %dma_start3A_81 = tpu.memref_slice %arg3[%add3A, %dma_start3A_79, %dma_start3A_80] : memref<32x152x64xi32, #tpu.memory_space<hbm>> -> memref<1x8x64xi32, #tpu.memory_space<hbm>>
      %dma_start3A_82 = tpu.memref_squeeze %dma_start3A_81 : memref<1x8x64xi32, #tpu.memory_space<hbm>> -> memref<8x64xi32, #tpu.memory_space<hbm>>
      %dma_start3A_83 = arith.constant 0 : i32
      %dma_start3A_84 = arith.constant 0 : i32
      %dma_start3A_85 = tpu.memref_slice %arg3[%add3A, %dma_start3A_83, %dma_start3A_84] : memref<32x152x64xi32, #tpu.memory_space<hbm>> -> memref<1x8x64xi32, #tpu.memory_space<hbm>>
      %dma_start3A_86 = tpu.memref_squeeze %dma_start3A_85 : memref<1x8x64xi32, #tpu.memory_space<hbm>> -> memref<8x64xi32, #tpu.memory_space<hbm>>
      tpu.enqueue_dma source(%dma_start3A_86 : memref<8x64xi32, #tpu.memory_space<hbm>>) target(%arg6 : memref<8x64xi32, #tpu.memory_space<vmem>>) target_semaphore(%run_scoped3A : memref<!tpu.dma_semaphore, #tpu.memory_space<semaphore_mem>>)
      %dma_wait3A = arith.constant 0 : i32
      %dma_wait3A_87 = arith.constant 0 : i32
      %dma_wait3A_88 = tpu.memref_slice %arg3[%add3A, %dma_wait3A, %dma_wait3A_87] : memref<32x152x64xi32, #tpu.memory_space<hbm>> -> memref<1x8x64xi32, #tpu.memory_space<hbm>>
      %dma_wait3A_89 = tpu.memref_squeeze %dma_wait3A_88 : memref<1x8x64xi32, #tpu.memory_space<hbm>> -> memref<8x64xi32, #tpu.memory_space<hbm>>
      %dma_wait3A_90 = arith.constant 0 : i32
      %dma_wait3A_91 = arith.constant 0 : i32
      %dma_wait3A_92 = tpu.memref_slice %arg3[%add3A, %dma_wait3A_90, %dma_wait3A_91] : memref<32x152x64xi32, #tpu.memory_space<hbm>> -> memref<1x8x64xi32, #tpu.memory_space<hbm>>
      %dma_wait3A_93 = tpu.memref_squeeze %dma_wait3A_92 : memref<1x8x64xi32, #tpu.memory_space<hbm>> -> memref<8x64xi32, #tpu.memory_space<hbm>>
      tpu.wait_dma2 semaphore(%run_scoped3A : memref<!tpu.dma_semaphore, #tpu.memory_space<semaphore_mem>>) src(%dma_wait3A_93 : memref<8x64xi32, #tpu.memory_space<hbm>>) dst(%arg6 : memref<8x64xi32, #tpu.memory_space<vmem>>)
      tpu.yield
    }) : () -> ()
    "tpu.region"() ({
      %run_scoped3A = tpu.sem_alloc : memref<!tpu.dma_semaphore, #tpu.memory_space<semaphore_mem>>
      %dma_start3A_79 = arith.constant 0 : i32
      %dma_start3A_80 = arith.constant 0 : i32
      %dma_start3A_81 = tpu.memref_slice %arg4[%add3A, %dma_start3A_79, %dma_start3A_80] : memref<32x152x64xi32, #tpu.memory_space<hbm>> -> memref<1x8x64xi32, #tpu.memory_space<hbm>>
      %dma_start3A_82 = tpu.memref_squeeze %dma_start3A_81 : memref<1x8x64xi32, #tpu.memory_space<hbm>> -> memref<8x64xi32, #tpu.memory_space<hbm>>
      %dma_start3A_83 = arith.constant 0 : i32
      %dma_start3A_84 = arith.constant 0 : i32
      %dma_start3A_85 = tpu.memref_slice %arg4[%add3A, %dma_start3A_83, %dma_start3A_84] : memref<32x152x64xi32, #tpu.memory_space<hbm>> -> memref<1x8x64xi32, #tpu.memory_space<hbm>>
      %dma_start3A_86 = tpu.memref_squeeze %dma_start3A_85 : memref<1x8x64xi32, #tpu.memory_space<hbm>> -> memref<8x64xi32, #tpu.memory_space<hbm>>
      tpu.enqueue_dma source(%dma_start3A_86 : memref<8x64xi32, #tpu.memory_space<hbm>>) target(%arg8 : memref<8x64xi32, #tpu.memory_space<vmem>>) target_semaphore(%run_scoped3A : memref<!tpu.dma_semaphore, #tpu.memory_space<semaphore_mem>>)
      %dma_wait3A = arith.constant 0 : i32
      %dma_wait3A_87 = arith.constant 0 : i32
      %dma_wait3A_88 = tpu.memref_slice %arg4[%add3A, %dma_wait3A, %dma_wait3A_87] : memref<32x152x64xi32, #tpu.memory_space<hbm>> -> memref<1x8x64xi32, #tpu.memory_space<hbm>>
      %dma_wait3A_89 = tpu.memref_squeeze %dma_wait3A_88 : memref<1x8x64xi32, #tpu.memory_space<hbm>> -> memref<8x64xi32, #tpu.memory_space<hbm>>
      %dma_wait3A_90 = arith.constant 0 : i32
      %dma_wait3A_91 = arith.constant 0 : i32
      %dma_wait3A_92 = tpu.memref_slice %arg4[%add3A, %dma_wait3A_90, %dma_wait3A_91] : memref<32x152x64xi32, #tpu.memory_space<hbm>> -> memref<1x8x64xi32, #tpu.memory_space<hbm>>
      %dma_wait3A_93 = tpu.memref_squeeze %dma_wait3A_92 : memref<1x8x64xi32, #tpu.memory_space<hbm>> -> memref<8x64xi32, #tpu.memory_space<hbm>>
      tpu.wait_dma2 semaphore(%run_scoped3A : memref<!tpu.dma_semaphore, #tpu.memory_space<semaphore_mem>>) src(%dma_wait3A_93 : memref<8x64xi32, #tpu.memory_space<hbm>>) dst(%arg8 : memref<8x64xi32, #tpu.memory_space<vmem>>)
      tpu.yield
    }) : () -> ()
    %dma_start3A = arith.constant 1 : i32
    %dma_start3A_7 = arith.constant 0 : i32
    %dma_start3A_8 = tpu.memref_slice %arg6[%dma_start3A, %dma_start3A_7] : memref<8x64xi32, #tpu.memory_space<vmem>> -> memref<1x64xi32, #tpu.memory_space<vmem>>
    %dma_start3A_9 = tpu.memref_squeeze %dma_start3A_8 : memref<1x64xi32, #tpu.memory_space<vmem>> -> memref<64xi32, #tpu.memory_space<vmem>>
    %dma_start3A_10 = arith.constant 0 : i32
    %dma_start3A_11 = arith.constant 0 : i32
    %dma_start3A_12 = tpu.memref_slice %arg2[%dma_start3A_10, %dma_start3A_11] : memref<30000x128xf32, #tpu.memory_space<hbm>> -> memref<30000x128xf32, #tpu.memory_space<hbm>>
    tpu.enqueue_indirect_dma source(%dma_start3A_12 : memref<30000x128xf32, #tpu.memory_space<hbm>>) target(%arg11 : memref<64x128xf32, #tpu.memory_space<vmem>>) offsets(%dma_start3A_9 : memref<64xi32, #tpu.memory_space<vmem>>) semaphore(%arg16 : memref<!tpu.dma_semaphore, #tpu.memory_space<semaphore_mem>>)
    %dma_start3A_13 = arith.constant 2 : i32
    %dma_start3A_14 = arith.constant 0 : i32
    %dma_start3A_15 = tpu.memref_slice %arg6[%dma_start3A_13, %dma_start3A_14] : memref<8x64xi32, #tpu.memory_space<vmem>> -> memref<1x64xi32, #tpu.memory_space<vmem>>
    %dma_start3A_16 = tpu.memref_squeeze %dma_start3A_15 : memref<1x64xi32, #tpu.memory_space<vmem>> -> memref<64xi32, #tpu.memory_space<vmem>>
    %dma_start3A_17 = arith.constant 0 : i32
    %dma_start3A_18 = arith.constant 0 : i32
    %dma_start3A_19 = tpu.memref_slice %arg2[%dma_start3A_17, %dma_start3A_18] : memref<30000x128xf32, #tpu.memory_space<hbm>> -> memref<30000x128xf32, #tpu.memory_space<hbm>>
    tpu.enqueue_indirect_dma source(%dma_start3A_19 : memref<30000x128xf32, #tpu.memory_space<hbm>>) target(%arg12 : memref<64x128xf32, #tpu.memory_space<vmem>>) offsets(%dma_start3A_16 : memref<64xi32, #tpu.memory_space<vmem>>) semaphore(%arg17 : memref<!tpu.dma_semaphore, #tpu.memory_space<semaphore_mem>>)
    %dma_start3A_20 = arith.constant 3 : i32
    %dma_start3A_21 = arith.constant 0 : i32
    %dma_start3A_22 = tpu.memref_slice %arg6[%dma_start3A_20, %dma_start3A_21] : memref<8x64xi32, #tpu.memory_space<vmem>> -> memref<1x64xi32, #tpu.memory_space<vmem>>
    %dma_start3A_23 = tpu.memref_squeeze %dma_start3A_22 : memref<1x64xi32, #tpu.memory_space<vmem>> -> memref<64xi32, #tpu.memory_space<vmem>>
    %dma_start3A_24 = arith.constant 0 : i32
    %dma_start3A_25 = arith.constant 0 : i32
    %dma_start3A_26 = tpu.memref_slice %arg2[%dma_start3A_24, %dma_start3A_25] : memref<30000x128xf32, #tpu.memory_space<hbm>> -> memref<30000x128xf32, #tpu.memory_space<hbm>>
    tpu.enqueue_indirect_dma source(%dma_start3A_26 : memref<30000x128xf32, #tpu.memory_space<hbm>>) target(%arg13 : memref<64x128xf32, #tpu.memory_space<vmem>>) offsets(%dma_start3A_23 : memref<64xi32, #tpu.memory_space<vmem>>) semaphore(%arg18 : memref<!tpu.dma_semaphore, #tpu.memory_space<semaphore_mem>>)
    %dma_start3A_27 = arith.constant 8 : i32
    %dma_start3A_28 = arith.constant 0 : i32
    %dma_start3A_29 = tpu.memref_slice %arg3[%add3A, %dma_start3A_27, %dma_start3A_28] : memref<32x152x64xi32, #tpu.memory_space<hbm>> -> memref<1x8x64xi32, #tpu.memory_space<hbm>>
    %dma_start3A_30 = tpu.memref_squeeze %dma_start3A_29 : memref<1x8x64xi32, #tpu.memory_space<hbm>> -> memref<8x64xi32, #tpu.memory_space<hbm>>
    %dma_start3A_31 = arith.constant 8 : i32
    %dma_start3A_32 = arith.constant 0 : i32
    %dma_start3A_33 = tpu.memref_slice %arg3[%add3A, %dma_start3A_31, %dma_start3A_32] : memref<32x152x64xi32, #tpu.memory_space<hbm>> -> memref<1x8x64xi32, #tpu.memory_space<hbm>>
    %dma_start3A_34 = tpu.memref_squeeze %dma_start3A_33 : memref<1x8x64xi32, #tpu.memory_space<hbm>> -> memref<8x64xi32, #tpu.memory_space<hbm>>
    tpu.enqueue_dma source(%dma_start3A_34 : memref<8x64xi32, #tpu.memory_space<hbm>>) target(%arg7 : memref<8x64xi32, #tpu.memory_space<vmem>>) target_semaphore(%arg20 : memref<!tpu.dma_semaphore, #tpu.memory_space<semaphore_mem>>)
    %dma_start3A_35 = arith.constant 8 : i32
    %dma_start3A_36 = arith.constant 0 : i32
    %dma_start3A_37 = tpu.memref_slice %arg4[%add3A, %dma_start3A_35, %dma_start3A_36] : memref<32x152x64xi32, #tpu.memory_space<hbm>> -> memref<1x8x64xi32, #tpu.memory_space<hbm>>
    %dma_start3A_38 = tpu.memref_squeeze %dma_start3A_37 : memref<1x8x64xi32, #tpu.memory_space<hbm>> -> memref<8x64xi32, #tpu.memory_space<hbm>>
    %dma_start3A_39 = arith.constant 8 : i32
    %dma_start3A_40 = arith.constant 0 : i32
    %dma_start3A_41 = tpu.memref_slice %arg4[%add3A, %dma_start3A_39, %dma_start3A_40] : memref<32x152x64xi32, #tpu.memory_space<hbm>> -> memref<1x8x64xi32, #tpu.memory_space<hbm>>
    %dma_start3A_42 = tpu.memref_squeeze %dma_start3A_41 : memref<1x8x64xi32, #tpu.memory_space<hbm>> -> memref<8x64xi32, #tpu.memory_space<hbm>>
    tpu.enqueue_dma source(%dma_start3A_42 : memref<8x64xi32, #tpu.memory_space<hbm>>) target(%arg9 : memref<8x64xi32, #tpu.memory_space<vmem>>) target_semaphore(%arg22 : memref<!tpu.dma_semaphore, #tpu.memory_space<semaphore_mem>>)
    %mul3A_43 = arith.constant 632 : i32
    %mul3A_44 = arith.muli %arg1, %mul3A_43 : i32
    %add3A_45 = arith.constant 0 : i32
    %add3A_46 = arith.addi %mul3A_44, %add3A_45 : i32
    "tpu.region"() ({
      %run_scoped3A = tpu.sem_alloc : memref<!tpu.dma_semaphore, #tpu.memory_space<semaphore_mem>>
      %dma_start3A_79 = arith.constant 0 : i32
      %dma_start3A_80 = tpu.memref_slice %arg14[%add3A_46, %dma_start3A_79] : memref<10112x128xf32, #tpu.memory_space<vmem_shared>> -> memref<64x128xf32, #tpu.memory_space<vmem_shared>>
      %dma_start3A_81 = arith.constant 0 : i32
      %dma_start3A_82 = tpu.memref_slice %arg14[%add3A_46, %dma_start3A_81] : memref<10112x128xf32, #tpu.memory_space<vmem_shared>> -> memref<64x128xf32, #tpu.memory_space<vmem_shared>>
      tpu.enqueue_dma source(%arg10 : memref<64x128xf32, #tpu.memory_space<vmem>>) target(%dma_start3A_82 : memref<64x128xf32, #tpu.memory_space<vmem_shared>>) target_semaphore(%run_scoped3A : memref<!tpu.dma_semaphore, #tpu.memory_space<semaphore_mem>>)
      %dma_wait3A = arith.constant 0 : i32
      %dma_wait3A_83 = tpu.memref_slice %arg14[%add3A_46, %dma_wait3A] : memref<10112x128xf32, #tpu.memory_space<vmem_shared>> -> memref<64x128xf32, #tpu.memory_space<vmem_shared>>
      %dma_wait3A_84 = arith.constant 0 : i32
      %dma_wait3A_85 = tpu.memref_slice %arg14[%add3A_46, %dma_wait3A_84] : memref<10112x128xf32, #tpu.memory_space<vmem_shared>> -> memref<64x128xf32, #tpu.memory_space<vmem_shared>>
      tpu.wait_dma2 semaphore(%run_scoped3A : memref<!tpu.dma_semaphore, #tpu.memory_space<semaphore_mem>>) src(%arg10 : memref<64x128xf32, #tpu.memory_space<vmem>>) dst(%dma_wait3A_85 : memref<64x128xf32, #tpu.memory_space<vmem_shared>>)
      tpu.yield
    }) : () -> ()
    %add3A_47 = arith.constant 64 : i32
    %add3A_48 = arith.addi %mul3A_44, %add3A_47 : i32
    "tpu.region"() ({
      %run_scoped3A = tpu.sem_alloc : memref<!tpu.dma_semaphore, #tpu.memory_space<semaphore_mem>>
      %dma_start3A_79 = arith.constant 0 : i32
      %dma_start3A_80 = tpu.memref_slice %arg14[%add3A_48, %dma_start3A_79] : memref<10112x128xf32, #tpu.memory_space<vmem_shared>> -> memref<64x128xf32, #tpu.memory_space<vmem_shared>>
      %dma_start3A_81 = arith.constant 0 : i32
      %dma_start3A_82 = tpu.memref_slice %arg14[%add3A_48, %dma_start3A_81] : memref<10112x128xf32, #tpu.memory_space<vmem_shared>> -> memref<64x128xf32, #tpu.memory_space<vmem_shared>>
      tpu.enqueue_dma source(%arg10 : memref<64x128xf32, #tpu.memory_space<vmem>>) target(%dma_start3A_82 : memref<64x128xf32, #tpu.memory_space<vmem_shared>>) target_semaphore(%run_scoped3A : memref<!tpu.dma_semaphore, #tpu.memory_space<semaphore_mem>>)
      %dma_wait3A = arith.constant 0 : i32
      %dma_wait3A_83 = tpu.memref_slice %arg14[%add3A_48, %dma_wait3A] : memref<10112x128xf32, #tpu.memory_space<vmem_shared>> -> memref<64x128xf32, #tpu.memory_space<vmem_shared>>
      %dma_wait3A_84 = arith.constant 0 : i32
      %dma_wait3A_85 = tpu.memref_slice %arg14[%add3A_48, %dma_wait3A_84] : memref<10112x128xf32, #tpu.memory_space<vmem_shared>> -> memref<64x128xf32, #tpu.memory_space<vmem_shared>>
      tpu.wait_dma2 semaphore(%run_scoped3A : memref<!tpu.dma_semaphore, #tpu.memory_space<semaphore_mem>>) src(%arg10 : memref<64x128xf32, #tpu.memory_space<vmem>>) dst(%dma_wait3A_85 : memref<64x128xf32, #tpu.memory_space<vmem_shared>>)
      tpu.yield
    }) : () -> ()
    %add3A_49 = arith.constant 128 : i32
    %add3A_50 = arith.addi %mul3A_44, %add3A_49 : i32
    "tpu.region"() ({
      %run_scoped3A = tpu.sem_alloc : memref<!tpu.dma_semaphore, #tpu.memory_space<semaphore_mem>>
      %dma_start3A_79 = arith.constant 0 : i32
      %dma_start3A_80 = tpu.memref_slice %arg14[%add3A_50, %dma_start3A_79] : memref<10112x128xf32, #tpu.memory_space<vmem_shared>> -> memref<64x128xf32, #tpu.memory_space<vmem_shared>>
      %dma_start3A_81 = arith.constant 0 : i32
      %dma_start3A_82 = tpu.memref_slice %arg14[%add3A_50, %dma_start3A_81] : memref<10112x128xf32, #tpu.memory_space<vmem_shared>> -> memref<64x128xf32, #tpu.memory_space<vmem_shared>>
      tpu.enqueue_dma source(%arg10 : memref<64x128xf32, #tpu.memory_space<vmem>>) target(%dma_start3A_82 : memref<64x128xf32, #tpu.memory_space<vmem_shared>>) target_semaphore(%run_scoped3A : memref<!tpu.dma_semaphore, #tpu.memory_space<semaphore_mem>>)
      %dma_wait3A = arith.constant 0 : i32
      %dma_wait3A_83 = tpu.memref_slice %arg14[%add3A_50, %dma_wait3A] : memref<10112x128xf32, #tpu.memory_space<vmem_shared>> -> memref<64x128xf32, #tpu.memory_space<vmem_shared>>
      %dma_wait3A_84 = arith.constant 0 : i32
      %dma_wait3A_85 = tpu.memref_slice %arg14[%add3A_50, %dma_wait3A_84] : memref<10112x128xf32, #tpu.memory_space<vmem_shared>> -> memref<64x128xf32, #tpu.memory_space<vmem_shared>>
      tpu.wait_dma2 semaphore(%run_scoped3A : memref<!tpu.dma_semaphore, #tpu.memory_space<semaphore_mem>>) src(%arg10 : memref<64x128xf32, #tpu.memory_space<vmem>>) dst(%dma_wait3A_85 : memref<64x128xf32, #tpu.memory_space<vmem_shared>>)
      tpu.yield
    }) : () -> ()
    %add3A_51 = arith.constant 192 : i32
    %add3A_52 = arith.addi %mul3A_44, %add3A_51 : i32
    "tpu.region"() ({
      %run_scoped3A = tpu.sem_alloc : memref<!tpu.dma_semaphore, #tpu.memory_space<semaphore_mem>>
      %dma_start3A_79 = arith.constant 0 : i32
      %dma_start3A_80 = tpu.memref_slice %arg14[%add3A_52, %dma_start3A_79] : memref<10112x128xf32, #tpu.memory_space<vmem_shared>> -> memref<64x128xf32, #tpu.memory_space<vmem_shared>>
      %dma_start3A_81 = arith.constant 0 : i32
      %dma_start3A_82 = tpu.memref_slice %arg14[%add3A_52, %dma_start3A_81] : memref<10112x128xf32, #tpu.memory_space<vmem_shared>> -> memref<64x128xf32, #tpu.memory_space<vmem_shared>>
      tpu.enqueue_dma source(%arg10 : memref<64x128xf32, #tpu.memory_space<vmem>>) target(%dma_start3A_82 : memref<64x128xf32, #tpu.memory_space<vmem_shared>>) target_semaphore(%run_scoped3A : memref<!tpu.dma_semaphore, #tpu.memory_space<semaphore_mem>>)
      %dma_wait3A = arith.constant 0 : i32
      %dma_wait3A_83 = tpu.memref_slice %arg14[%add3A_52, %dma_wait3A] : memref<10112x128xf32, #tpu.memory_space<vmem_shared>> -> memref<64x128xf32, #tpu.memory_space<vmem_shared>>
      %dma_wait3A_84 = arith.constant 0 : i32
      %dma_wait3A_85 = tpu.memref_slice %arg14[%add3A_52, %dma_wait3A_84] : memref<10112x128xf32, #tpu.memory_space<vmem_shared>> -> memref<64x128xf32, #tpu.memory_space<vmem_shared>>
      tpu.wait_dma2 semaphore(%run_scoped3A : memref<!tpu.dma_semaphore, #tpu.memory_space<semaphore_mem>>) src(%arg10 : memref<64x128xf32, #tpu.memory_space<vmem>>) dst(%dma_wait3A_85 : memref<64x128xf32, #tpu.memory_space<vmem_shared>>)
      tpu.yield
    }) : () -> ()
    %add3A_53 = arith.constant 256 : i32
    %add3A_54 = arith.addi %mul3A_44, %add3A_53 : i32
    "tpu.region"() ({
      %run_scoped3A = tpu.sem_alloc : memref<!tpu.dma_semaphore, #tpu.memory_space<semaphore_mem>>
      %dma_start3A_79 = arith.constant 0 : i32
      %dma_start3A_80 = tpu.memref_slice %arg14[%add3A_54, %dma_start3A_79] : memref<10112x128xf32, #tpu.memory_space<vmem_shared>> -> memref<64x128xf32, #tpu.memory_space<vmem_shared>>
      %dma_start3A_81 = arith.constant 0 : i32
      %dma_start3A_82 = tpu.memref_slice %arg14[%add3A_54, %dma_start3A_81] : memref<10112x128xf32, #tpu.memory_space<vmem_shared>> -> memref<64x128xf32, #tpu.memory_space<vmem_shared>>
      tpu.enqueue_dma source(%arg10 : memref<64x128xf32, #tpu.memory_space<vmem>>) target(%dma_start3A_82 : memref<64x128xf32, #tpu.memory_space<vmem_shared>>) target_semaphore(%run_scoped3A : memref<!tpu.dma_semaphore, #tpu.memory_space<semaphore_mem>>)
      %dma_wait3A = arith.constant 0 : i32
      %dma_wait3A_83 = tpu.memref_slice %arg14[%add3A_54, %dma_wait3A] : memref<10112x128xf32, #tpu.memory_space<vmem_shared>> -> memref<64x128xf32, #tpu.memory_space<vmem_shared>>
      %dma_wait3A_84 = arith.constant 0 : i32
      %dma_wait3A_85 = tpu.memref_slice %arg14[%add3A_54, %dma_wait3A_84] : memref<10112x128xf32, #tpu.memory_space<vmem_shared>> -> memref<64x128xf32, #tpu.memory_space<vmem_shared>>
      tpu.wait_dma2 semaphore(%run_scoped3A : memref<!tpu.dma_semaphore, #tpu.memory_space<semaphore_mem>>) src(%arg10 : memref<64x128xf32, #tpu.memory_space<vmem>>) dst(%dma_wait3A_85 : memref<64x128xf32, #tpu.memory_space<vmem_shared>>)
      tpu.yield
    }) : () -> ()
    %add3A_55 = arith.constant 320 : i32
    %add3A_56 = arith.addi %mul3A_44, %add3A_55 : i32
    "tpu.region"() ({
      %run_scoped3A = tpu.sem_alloc : memref<!tpu.dma_semaphore, #tpu.memory_space<semaphore_mem>>
      %dma_start3A_79 = arith.constant 0 : i32
      %dma_start3A_80 = tpu.memref_slice %arg14[%add3A_56, %dma_start3A_79] : memref<10112x128xf32, #tpu.memory_space<vmem_shared>> -> memref<64x128xf32, #tpu.memory_space<vmem_shared>>
      %dma_start3A_81 = arith.constant 0 : i32
      %dma_start3A_82 = tpu.memref_slice %arg14[%add3A_56, %dma_start3A_81] : memref<10112x128xf32, #tpu.memory_space<vmem_shared>> -> memref<64x128xf32, #tpu.memory_space<vmem_shared>>
      tpu.enqueue_dma source(%arg10 : memref<64x128xf32, #tpu.memory_space<vmem>>) target(%dma_start3A_82 : memref<64x128xf32, #tpu.memory_space<vmem_shared>>) target_semaphore(%run_scoped3A : memref<!tpu.dma_semaphore, #tpu.memory_space<semaphore_mem>>)
      %dma_wait3A = arith.constant 0 : i32
      %dma_wait3A_83 = tpu.memref_slice %arg14[%add3A_56, %dma_wait3A] : memref<10112x128xf32, #tpu.memory_space<vmem_shared>> -> memref<64x128xf32, #tpu.memory_space<vmem_shared>>
      %dma_wait3A_84 = arith.constant 0 : i32
      %dma_wait3A_85 = tpu.memref_slice %arg14[%add3A_56, %dma_wait3A_84] : memref<10112x128xf32, #tpu.memory_space<vmem_shared>> -> memref<64x128xf32, #tpu.memory_space<vmem_shared>>
      tpu.wait_dma2 semaphore(%run_scoped3A : memref<!tpu.dma_semaphore, #tpu.memory_space<semaphore_mem>>) src(%arg10 : memref<64x128xf32, #tpu.memory_space<vmem>>) dst(%dma_wait3A_85 : memref<64x128xf32, #tpu.memory_space<vmem_shared>>)
      tpu.yield
    }) : () -> ()
    %add3A_57 = arith.constant 384 : i32
    %add3A_58 = arith.addi %mul3A_44, %add3A_57 : i32
    "tpu.region"() ({
      %run_scoped3A = tpu.sem_alloc : memref<!tpu.dma_semaphore, #tpu.memory_space<semaphore_mem>>
      %dma_start3A_79 = arith.constant 0 : i32
      %dma_start3A_80 = tpu.memref_slice %arg14[%add3A_58, %dma_start3A_79] : memref<10112x128xf32, #tpu.memory_space<vmem_shared>> -> memref<64x128xf32, #tpu.memory_space<vmem_shared>>
      %dma_start3A_81 = arith.constant 0 : i32
      %dma_start3A_82 = tpu.memref_slice %arg14[%add3A_58, %dma_start3A_81] : memref<10112x128xf32, #tpu.memory_space<vmem_shared>> -> memref<64x128xf32, #tpu.memory_space<vmem_shared>>
      tpu.enqueue_dma source(%arg10 : memref<64x128xf32, #tpu.memory_space<vmem>>) target(%dma_start3A_82 : memref<64x128xf32, #tpu.memory_space<vmem_shared>>) target_semaphore(%run_scoped3A : memref<!tpu.dma_semaphore, #tpu.memory_space<semaphore_mem>>)
      %dma_wait3A = arith.constant 0 : i32
      %dma_wait3A_83 = tpu.memref_slice %arg14[%add3A_58, %dma_wait3A] : memref<10112x128xf32, #tpu.memory_space<vmem_shared>> -> memref<64x128xf32, #tpu.memory_space<vmem_shared>>
      %dma_wait3A_84 = arith.constant 0 : i32
      %dma_wait3A_85 = tpu.memref_slice %arg14[%add3A_58, %dma_wait3A_84] : memref<10112x128xf32, #tpu.memory_space<vmem_shared>> -> memref<64x128xf32, #tpu.memory_space<vmem_shared>>
      tpu.wait_dma2 semaphore(%run_scoped3A : memref<!tpu.dma_semaphore, #tpu.memory_space<semaphore_mem>>) src(%arg10 : memref<64x128xf32, #tpu.memory_space<vmem>>) dst(%dma_wait3A_85 : memref<64x128xf32, #tpu.memory_space<vmem_shared>>)
      tpu.yield
    }) : () -> ()
    %add3A_59 = arith.constant 448 : i32
    %add3A_60 = arith.addi %mul3A_44, %add3A_59 : i32
    "tpu.region"() ({
      %run_scoped3A = tpu.sem_alloc : memref<!tpu.dma_semaphore, #tpu.memory_space<semaphore_mem>>
      %dma_start3A_79 = arith.constant 0 : i32
      %dma_start3A_80 = tpu.memref_slice %arg14[%add3A_60, %dma_start3A_79] : memref<10112x128xf32, #tpu.memory_space<vmem_shared>> -> memref<64x128xf32, #tpu.memory_space<vmem_shared>>
      %dma_start3A_81 = arith.constant 0 : i32
      %dma_start3A_82 = tpu.memref_slice %arg14[%add3A_60, %dma_start3A_81] : memref<10112x128xf32, #tpu.memory_space<vmem_shared>> -> memref<64x128xf32, #tpu.memory_space<vmem_shared>>
      tpu.enqueue_dma source(%arg10 : memref<64x128xf32, #tpu.memory_space<vmem>>) target(%dma_start3A_82 : memref<64x128xf32, #tpu.memory_space<vmem_shared>>) target_semaphore(%run_scoped3A : memref<!tpu.dma_semaphore, #tpu.memory_space<semaphore_mem>>)
      %dma_wait3A = arith.constant 0 : i32
      %dma_wait3A_83 = tpu.memref_slice %arg14[%add3A_60, %dma_wait3A] : memref<10112x128xf32, #tpu.memory_space<vmem_shared>> -> memref<64x128xf32, #tpu.memory_space<vmem_shared>>
      %dma_wait3A_84 = arith.constant 0 : i32
      %dma_wait3A_85 = tpu.memref_slice %arg14[%add3A_60, %dma_wait3A_84] : memref<10112x128xf32, #tpu.memory_space<vmem_shared>> -> memref<64x128xf32, #tpu.memory_space<vmem_shared>>
      tpu.wait_dma2 semaphore(%run_scoped3A : memref<!tpu.dma_semaphore, #tpu.memory_space<semaphore_mem>>) src(%arg10 : memref<64x128xf32, #tpu.memory_space<vmem>>) dst(%dma_wait3A_85 : memref<64x128xf32, #tpu.memory_space<vmem_shared>>)
      tpu.yield
    }) : () -> ()
    %add3A_61 = arith.constant 512 : i32
    %add3A_62 = arith.addi %mul3A_44, %add3A_61 : i32
    "tpu.region"() ({
      %run_scoped3A = tpu.sem_alloc : memref<!tpu.dma_semaphore, #tpu.memory_space<semaphore_mem>>
      %dma_start3A_79 = arith.constant 0 : i32
      %dma_start3A_80 = tpu.memref_slice %arg14[%add3A_62, %dma_start3A_79] : memref<10112x128xf32, #tpu.memory_space<vmem_shared>> -> memref<64x128xf32, #tpu.memory_space<vmem_shared>>
      %dma_start3A_81 = arith.constant 0 : i32
      %dma_start3A_82 = tpu.memref_slice %arg14[%add3A_62, %dma_start3A_81] : memref<10112x128xf32, #tpu.memory_space<vmem_shared>> -> memref<64x128xf32, #tpu.memory_space<vmem_shared>>
      tpu.enqueue_dma source(%arg10 : memref<64x128xf32, #tpu.memory_space<vmem>>) target(%dma_start3A_82 : memref<64x128xf32, #tpu.memory_space<vmem_shared>>) target_semaphore(%run_scoped3A : memref<!tpu.dma_semaphore, #tpu.memory_space<semaphore_mem>>)
      %dma_wait3A = arith.constant 0 : i32
      %dma_wait3A_83 = tpu.memref_slice %arg14[%add3A_62, %dma_wait3A] : memref<10112x128xf32, #tpu.memory_space<vmem_shared>> -> memref<64x128xf32, #tpu.memory_space<vmem_shared>>
      %dma_wait3A_84 = arith.constant 0 : i32
      %dma_wait3A_85 = tpu.memref_slice %arg14[%add3A_62, %dma_wait3A_84] : memref<10112x128xf32, #tpu.memory_space<vmem_shared>> -> memref<64x128xf32, #tpu.memory_space<vmem_shared>>
      tpu.wait_dma2 semaphore(%run_scoped3A : memref<!tpu.dma_semaphore, #tpu.memory_space<semaphore_mem>>) src(%arg10 : memref<64x128xf32, #tpu.memory_space<vmem>>) dst(%dma_wait3A_85 : memref<64x128xf32, #tpu.memory_space<vmem_shared>>)
      tpu.yield
    }) : () -> ()
    %add3A_63 = arith.constant 576 : i32
    %add3A_64 = arith.addi %mul3A_44, %add3A_63 : i32
    "tpu.region"() ({
      %run_scoped3A = tpu.sem_alloc : memref<!tpu.dma_semaphore, #tpu.memory_space<semaphore_mem>>
      %dma_start3A_79 = arith.constant 0 : i32
      %dma_start3A_80 = arith.constant 0 : i32
      %dma_start3A_81 = tpu.memref_slice %arg10[%dma_start3A_79, %dma_start3A_80] : memref<64x128xf32, #tpu.memory_space<vmem>> -> memref<56x128xf32, #tpu.memory_space<vmem>>
      %dma_start3A_82 = arith.constant 0 : i32
      %dma_start3A_83 = tpu.memref_slice %arg14[%add3A_64, %dma_start3A_82] : memref<10112x128xf32, #tpu.memory_space<vmem_shared>> -> memref<56x128xf32, #tpu.memory_space<vmem_shared>>
      %dma_start3A_84 = arith.constant 0 : i32
      %dma_start3A_85 = tpu.memref_slice %arg14[%add3A_64, %dma_start3A_84] : memref<10112x128xf32, #tpu.memory_space<vmem_shared>> -> memref<56x128xf32, #tpu.memory_space<vmem_shared>>
      %dma_start3A_86 = arith.constant 0 : i32
      %dma_start3A_87 = arith.constant 0 : i32
      %dma_start3A_88 = tpu.memref_slice %arg10[%dma_start3A_86, %dma_start3A_87] : memref<64x128xf32, #tpu.memory_space<vmem>> -> memref<56x128xf32, #tpu.memory_space<vmem>>
      tpu.enqueue_dma source(%dma_start3A_88 : memref<56x128xf32, #tpu.memory_space<vmem>>) target(%dma_start3A_85 : memref<56x128xf32, #tpu.memory_space<vmem_shared>>) target_semaphore(%run_scoped3A : memref<!tpu.dma_semaphore, #tpu.memory_space<semaphore_mem>>)
      %dma_wait3A = arith.constant 0 : i32
      %dma_wait3A_89 = arith.constant 0 : i32
      %dma_wait3A_90 = tpu.memref_slice %arg10[%dma_wait3A, %dma_wait3A_89] : memref<64x128xf32, #tpu.memory_space<vmem>> -> memref<56x128xf32, #tpu.memory_space<vmem>>
      %dma_wait3A_91 = arith.constant 0 : i32
      %dma_wait3A_92 = tpu.memref_slice %arg14[%add3A_64, %dma_wait3A_91] : memref<10112x128xf32, #tpu.memory_space<vmem_shared>> -> memref<56x128xf32, #tpu.memory_space<vmem_shared>>
      %dma_wait3A_93 = arith.constant 0 : i32
      %dma_wait3A_94 = tpu.memref_slice %arg14[%add3A_64, %dma_wait3A_93] : memref<10112x128xf32, #tpu.memory_space<vmem_shared>> -> memref<56x128xf32, #tpu.memory_space<vmem_shared>>
      %dma_wait3A_95 = arith.constant 0 : i32
      %dma_wait3A_96 = arith.constant 0 : i32
      %dma_wait3A_97 = tpu.memref_slice %arg10[%dma_wait3A_95, %dma_wait3A_96] : memref<64x128xf32, #tpu.memory_space<vmem>> -> memref<56x128xf32, #tpu.memory_space<vmem>>
      tpu.wait_dma2 semaphore(%run_scoped3A : memref<!tpu.dma_semaphore, #tpu.memory_space<semaphore_mem>>) src(%dma_wait3A_97 : memref<56x128xf32, #tpu.memory_space<vmem>>) dst(%dma_wait3A_94 : memref<56x128xf32, #tpu.memory_space<vmem_shared>>)
      tpu.yield
    }) : () -> ()
    %dma_start3A_65 = arith.constant 0 : i32
    %dma_start3A_66 = arith.constant 0 : i32
    %dma_start3A_67 = tpu.memref_slice %arg6[%dma_start3A_65, %dma_start3A_66] : memref<8x64xi32, #tpu.memory_space<vmem>> -> memref<1x64xi32, #tpu.memory_space<vmem>>
    %dma_start3A_68 = tpu.memref_squeeze %dma_start3A_67 : memref<1x64xi32, #tpu.memory_space<vmem>> -> memref<64xi32, #tpu.memory_space<vmem>>
    %dma_start3A_69 = arith.constant 0 : i32
    %dma_start3A_70 = arith.constant 0 : i32
    %dma_start3A_71 = tpu.memref_slice %arg2[%dma_start3A_69, %dma_start3A_70] : memref<30000x128xf32, #tpu.memory_space<hbm>> -> memref<30000x128xf32, #tpu.memory_space<hbm>>
    tpu.enqueue_indirect_dma source(%dma_start3A_71 : memref<30000x128xf32, #tpu.memory_space<hbm>>) target(%arg10 : memref<64x128xf32, #tpu.memory_space<vmem>>) offsets(%dma_start3A_68 : memref<64xi32, #tpu.memory_space<vmem>>) semaphore(%arg15 : memref<!tpu.dma_semaphore, #tpu.memory_space<semaphore_mem>>)
    %barrier3A = arith.constant 0 : index
    tpu.barrier barrier_id(%barrier3A)
    %scan3A_72 = arith.constant 0 : i32
    %scan3A_73 = arith.constant 0 : i32
    %scan3A_74 = arith.constant 19 : i32
    %scan3A_75 = arith.addi %scan3A_73, %scan3A_74 : i32
    %scan3A_76 = arith.constant 1 : i32
    scf.for %scan3A_79 = %scan3A_73 to %scan3A_75 step %scan3A_76  : i32 {
      %rem3A = arith.constant 2 : i32
      %rem3A_80 = arith.remsi %scan3A_79, %rem3A : i32
      %add3A_81 = arith.constant 1 : i32
      %add3A_82 = arith.addi %scan3A_79, %add3A_81 : i32
      %rem3A_83 = arith.constant 2 : i32
      %rem3A_84 = arith.remsi %add3A_82, %rem3A_83 : i32
      %eq3A = arith.constant 0 : i32
      %eq3A_85 = arith.cmpi eq, %rem3A_80, %eq3A : i32
      %convert_element_type3A = arith.extui %eq3A_85 : i1 to i32
      %cond3A = arith.constant 0 : i32
      %cond3A_86 = arith.cmpi ne, %convert_element_type3A, %cond3A : i32
      scf.if %cond3A_86 {
        %add3A_92 = arith.constant 1 : i32
        %add3A_93 = arith.addi %scan3A_79, %add3A_92 : i32
        %lt3A = arith.constant 19 : i32
        %lt3A_94 = arith.cmpi slt, %add3A_93, %lt3A : i32
        %convert_element_type3A_95 = arith.extui %lt3A_94 : i1 to i32
        %cond3A_96 = arith.constant 0 : i32
        %cond3A_97 = arith.cmpi ne, %convert_element_type3A_95, %cond3A_96 : i32
        scf.if %cond3A_97 {
          %dma_wait3A_223 = arith.constant 0 : i32
          %dma_wait3A_224 = arith.constant 0 : i32
          %dma_wait3A_225 = tpu.memref_slice %arg3[%add3A, %dma_wait3A_223, %dma_wait3A_224] : memref<32x152x64xi32, #tpu.memory_space<hbm>> -> memref<1x8x64xi32, #tpu.memory_space<hbm>>
          %dma_wait3A_226 = tpu.memref_squeeze %dma_wait3A_225 : memref<1x8x64xi32, #tpu.memory_space<hbm>> -> memref<8x64xi32, #tpu.memory_space<hbm>>
          %dma_wait3A_227 = arith.constant 0 : i32
          %dma_wait3A_228 = arith.constant 0 : i32
          %dma_wait3A_229 = tpu.memref_slice %arg3[%add3A, %dma_wait3A_227, %dma_wait3A_228] : memref<32x152x64xi32, #tpu.memory_space<hbm>> -> memref<1x8x64xi32, #tpu.memory_space<hbm>>
          %dma_wait3A_230 = tpu.memref_squeeze %dma_wait3A_229 : memref<1x8x64xi32, #tpu.memory_space<hbm>> -> memref<8x64xi32, #tpu.memory_space<hbm>>
          tpu.wait_dma2 semaphore(%arg20 : memref<!tpu.dma_semaphore, #tpu.memory_space<semaphore_mem>>) src(%dma_wait3A_230 : memref<8x64xi32, #tpu.memory_space<hbm>>) dst(%arg7 : memref<8x64xi32, #tpu.memory_space<vmem>>)
          %dma_wait3A_231 = arith.constant 0 : i32
          %dma_wait3A_232 = arith.constant 0 : i32
          %dma_wait3A_233 = tpu.memref_slice %arg4[%add3A, %dma_wait3A_231, %dma_wait3A_232] : memref<32x152x64xi32, #tpu.memory_space<hbm>> -> memref<1x8x64xi32, #tpu.memory_space<hbm>>
          %dma_wait3A_234 = tpu.memref_squeeze %dma_wait3A_233 : memref<1x8x64xi32, #tpu.memory_space<hbm>> -> memref<8x64xi32, #tpu.memory_space<hbm>>
          %dma_wait3A_235 = arith.constant 0 : i32
          %dma_wait3A_236 = arith.constant 0 : i32
          %dma_wait3A_237 = tpu.memref_slice %arg4[%add3A, %dma_wait3A_235, %dma_wait3A_236] : memref<32x152x64xi32, #tpu.memory_space<hbm>> -> memref<1x8x64xi32, #tpu.memory_space<hbm>>
          %dma_wait3A_238 = tpu.memref_squeeze %dma_wait3A_237 : memref<1x8x64xi32, #tpu.memory_space<hbm>> -> memref<8x64xi32, #tpu.memory_space<hbm>>
          tpu.wait_dma2 semaphore(%arg22 : memref<!tpu.dma_semaphore, #tpu.memory_space<semaphore_mem>>) src(%dma_wait3A_238 : memref<8x64xi32, #tpu.memory_space<hbm>>) dst(%arg9 : memref<8x64xi32, #tpu.memory_space<vmem>>)
        } else {
        }
        %dma_wait3A = arith.constant 0 : i32
        %dma_wait3A_98 = arith.constant 0 : i32
        %dma_wait3A_99 = tpu.memref_slice %arg6[%dma_wait3A, %dma_wait3A_98] : memref<8x64xi32, #tpu.memory_space<vmem>> -> memref<1x64xi32, #tpu.memory_space<vmem>>
        %dma_wait3A_100 = tpu.memref_squeeze %dma_wait3A_99 : memref<1x64xi32, #tpu.memory_space<vmem>> -> memref<64xi32, #tpu.memory_space<vmem>>
        %dma_wait3A_101 = arith.constant 0 : i32
        %dma_wait3A_102 = arith.constant 0 : i32
        %dma_wait3A_103 = tpu.memref_slice %arg2[%dma_wait3A_101, %dma_wait3A_102] : memref<30000x128xf32, #tpu.memory_space<hbm>> -> memref<30000x128xf32, #tpu.memory_space<hbm>>
        tpu.wait_indirect_dma semaphore(%arg15 : memref<!tpu.dma_semaphore, #tpu.memory_space<semaphore_mem>>) src(%dma_wait3A_103 : memref<30000x128xf32, #tpu.memory_space<hbm>>) dst(%arg10 : memref<64x128xf32, #tpu.memory_space<vmem>>)
        %run_scoped3A = arith.constant 0 : i32
        "tpu.region"() ({
          %run_scoped3A_223 = tpu.sem_alloc : memref<!tpu.dma_semaphore, #tpu.memory_space<semaphore_mem>>
          %dma_start3A_224 = arith.constant 0 : i32
          %dma_start3A_225 = tpu.memref_slice %arg8[%run_scoped3A, %dma_start3A_224] : memref<8x64xi32, #tpu.memory_space<vmem>> -> memref<1x64xi32, #tpu.memory_space<vmem>>
          %dma_start3A_226 = tpu.memref_squeeze %dma_start3A_225 : memref<1x64xi32, #tpu.memory_space<vmem>> -> memref<64xi32, #tpu.memory_space<vmem>>
          %dma_start3A_227 = arith.constant 0 : i32
          %dma_start3A_228 = arith.constant 0 : i32
          %dma_start3A_229 = tpu.memref_slice %arg14[%dma_start3A_227, %dma_start3A_228] : memref<10112x128xf32, #tpu.memory_space<vmem_shared>> -> memref<10112x128xf32, #tpu.memory_space<vmem_shared>>
          tpu.enqueue_indirect_dma source(%arg10 : memref<64x128xf32, #tpu.memory_space<vmem>>) target(%dma_start3A_229 : memref<10112x128xf32, #tpu.memory_space<vmem_shared>>) offsets(%dma_start3A_226 : memref<64xi32, #tpu.memory_space<vmem>>) semaphore(%run_scoped3A_223 : memref<!tpu.dma_semaphore, #tpu.memory_space<semaphore_mem>>) {add = true}
          %dma_wait3A_230 = arith.constant 0 : i32
          %dma_wait3A_231 = tpu.memref_slice %arg8[%run_scoped3A, %dma_wait3A_230] : memref<8x64xi32, #tpu.memory_space<vmem>> -> memref<1x64xi32, #tpu.memory_space<vmem>>
          %dma_wait3A_232 = tpu.memref_squeeze %dma_wait3A_231 : memref<1x64xi32, #tpu.memory_space<vmem>> -> memref<64xi32, #tpu.memory_space<vmem>>
          %dma_wait3A_233 = arith.constant 0 : i32
          %dma_wait3A_234 = arith.constant 0 : i32
          %dma_wait3A_235 = tpu.memref_slice %arg14[%dma_wait3A_233, %dma_wait3A_234] : memref<10112x128xf32, #tpu.memory_space<vmem_shared>> -> memref<10112x128xf32, #tpu.memory_space<vmem_shared>>
          tpu.wait_indirect_dma semaphore(%run_scoped3A_223 : memref<!tpu.dma_semaphore, #tpu.memory_space<semaphore_mem>>) src(%arg10 : memref<64x128xf32, #tpu.memory_space<vmem>>) dst(%dma_wait3A_235 : memref<10112x128xf32, #tpu.memory_space<vmem_shared>>)
          tpu.yield
        }) : () -> ()
        %dma_start3A_104 = arith.constant 4 : i32
        %dma_start3A_105 = arith.constant 0 : i32
        %dma_start3A_106 = tpu.memref_slice %arg6[%dma_start3A_104, %dma_start3A_105] : memref<8x64xi32, #tpu.memory_space<vmem>> -> memref<1x64xi32, #tpu.memory_space<vmem>>
        %dma_start3A_107 = tpu.memref_squeeze %dma_start3A_106 : memref<1x64xi32, #tpu.memory_space<vmem>> -> memref<64xi32, #tpu.memory_space<vmem>>
        %dma_start3A_108 = arith.constant 0 : i32
        %dma_start3A_109 = arith.constant 0 : i32
        %dma_start3A_110 = tpu.memref_slice %arg2[%dma_start3A_108, %dma_start3A_109] : memref<30000x128xf32, #tpu.memory_space<hbm>> -> memref<30000x128xf32, #tpu.memory_space<hbm>>
        tpu.enqueue_indirect_dma source(%dma_start3A_110 : memref<30000x128xf32, #tpu.memory_space<hbm>>) target(%arg10 : memref<64x128xf32, #tpu.memory_space<vmem>>) offsets(%dma_start3A_107 : memref<64xi32, #tpu.memory_space<vmem>>) semaphore(%arg15 : memref<!tpu.dma_semaphore, #tpu.memory_space<semaphore_mem>>)
        %dma_wait3A_111 = arith.constant 0 : i32
        %dma_wait3A_112 = arith.constant 0 : i32
        %dma_wait3A_113 = tpu.memref_slice %arg6[%dma_wait3A_111, %dma_wait3A_112] : memref<8x64xi32, #tpu.memory_space<vmem>> -> memref<1x64xi32, #tpu.memory_space<vmem>>
        %dma_wait3A_114 = tpu.memref_squeeze %dma_wait3A_113 : memref<1x64xi32, #tpu.memory_space<vmem>> -> memref<64xi32, #tpu.memory_space<vmem>>
        %dma_wait3A_115 = arith.constant 0 : i32
        %dma_wait3A_116 = arith.constant 0 : i32
        %dma_wait3A_117 = tpu.memref_slice %arg2[%dma_wait3A_115, %dma_wait3A_116] : memref<30000x128xf32, #tpu.memory_space<hbm>> -> memref<30000x128xf32, #tpu.memory_space<hbm>>
        tpu.wait_indirect_dma semaphore(%arg16 : memref<!tpu.dma_semaphore, #tpu.memory_space<semaphore_mem>>) src(%dma_wait3A_117 : memref<30000x128xf32, #tpu.memory_space<hbm>>) dst(%arg11 : memref<64x128xf32, #tpu.memory_space<vmem>>)
        %run_scoped3A_118 = arith.constant 1 : i32
        "tpu.region"() ({
          %run_scoped3A_223 = tpu.sem_alloc : memref<!tpu.dma_semaphore, #tpu.memory_space<semaphore_mem>>
          %dma_start3A_224 = arith.constant 0 : i32
          %dma_start3A_225 = tpu.memref_slice %arg8[%run_scoped3A_118, %dma_start3A_224] : memref<8x64xi32, #tpu.memory_space<vmem>> -> memref<1x64xi32, #tpu.memory_space<vmem>>
          %dma_start3A_226 = tpu.memref_squeeze %dma_start3A_225 : memref<1x64xi32, #tpu.memory_space<vmem>> -> memref<64xi32, #tpu.memory_space<vmem>>
          %dma_start3A_227 = arith.constant 0 : i32
          %dma_start3A_228 = arith.constant 0 : i32
          %dma_start3A_229 = tpu.memref_slice %arg14[%dma_start3A_227, %dma_start3A_228] : memref<10112x128xf32, #tpu.memory_space<vmem_shared>> -> memref<10112x128xf32, #tpu.memory_space<vmem_shared>>
          tpu.enqueue_indirect_dma source(%arg11 : memref<64x128xf32, #tpu.memory_space<vmem>>) target(%dma_start3A_229 : memref<10112x128xf32, #tpu.memory_space<vmem_shared>>) offsets(%dma_start3A_226 : memref<64xi32, #tpu.memory_space<vmem>>) semaphore(%run_scoped3A_223 : memref<!tpu.dma_semaphore, #tpu.memory_space<semaphore_mem>>) {add = true}
          %dma_wait3A_230 = arith.constant 0 : i32
          %dma_wait3A_231 = tpu.memref_slice %arg8[%run_scoped3A_118, %dma_wait3A_230] : memref<8x64xi32, #tpu.memory_space<vmem>> -> memref<1x64xi32, #tpu.memory_space<vmem>>
          %dma_wait3A_232 = tpu.memref_squeeze %dma_wait3A_231 : memref<1x64xi32, #tpu.memory_space<vmem>> -> memref<64xi32, #tpu.memory_space<vmem>>
          %dma_wait3A_233 = arith.constant 0 : i32
          %dma_wait3A_234 = arith.constant 0 : i32
          %dma_wait3A_235 = tpu.memref_slice %arg14[%dma_wait3A_233, %dma_wait3A_234] : memref<10112x128xf32, #tpu.memory_space<vmem_shared>> -> memref<10112x128xf32, #tpu.memory_space<vmem_shared>>
          tpu.wait_indirect_dma semaphore(%run_scoped3A_223 : memref<!tpu.dma_semaphore, #tpu.memory_space<semaphore_mem>>) src(%arg11 : memref<64x128xf32, #tpu.memory_space<vmem>>) dst(%dma_wait3A_235 : memref<10112x128xf32, #tpu.memory_space<vmem_shared>>)
          tpu.yield
        }) : () -> ()
        %dma_start3A_119 = arith.constant 5 : i32
        %dma_start3A_120 = arith.constant 0 : i32
        %dma_start3A_121 = tpu.memref_slice %arg6[%dma_start3A_119, %dma_start3A_120] : memref<8x64xi32, #tpu.memory_space<vmem>> -> memref<1x64xi32, #tpu.memory_space<vmem>>
        %dma_start3A_122 = tpu.memref_squeeze %dma_start3A_121 : memref<1x64xi32, #tpu.memory_space<vmem>> -> memref<64xi32, #tpu.memory_space<vmem>>
        %dma_start3A_123 = arith.constant 0 : i32
        %dma_start3A_124 = arith.constant 0 : i32
        %dma_start3A_125 = tpu.memref_slice %arg2[%dma_start3A_123, %dma_start3A_124] : memref<30000x128xf32, #tpu.memory_space<hbm>> -> memref<30000x128xf32, #tpu.memory_space<hbm>>
        tpu.enqueue_indirect_dma source(%dma_start3A_125 : memref<30000x128xf32, #tpu.memory_space<hbm>>) target(%arg11 : memref<64x128xf32, #tpu.memory_space<vmem>>) offsets(%dma_start3A_122 : memref<64xi32, #tpu.memory_space<vmem>>) semaphore(%arg16 : memref<!tpu.dma_semaphore, #tpu.memory_space<semaphore_mem>>)
        %dma_wait3A_126 = arith.constant 0 : i32
        %dma_wait3A_127 = arith.constant 0 : i32
        %dma_wait3A_128 = tpu.memref_slice %arg6[%dma_wait3A_126, %dma_wait3A_127] : memref<8x64xi32, #tpu.memory_space<vmem>> -> memref<1x64xi32, #tpu.memory_space<vmem>>
        %dma_wait3A_129 = tpu.memref_squeeze %dma_wait3A_128 : memref<1x64xi32, #tpu.memory_space<vmem>> -> memref<64xi32, #tpu.memory_space<vmem>>
        %dma_wait3A_130 = arith.constant 0 : i32
        %dma_wait3A_131 = arith.constant 0 : i32
        %dma_wait3A_132 = tpu.memref_slice %arg2[%dma_wait3A_130, %dma_wait3A_131] : memref<30000x128xf32, #tpu.memory_space<hbm>> -> memref<30000x128xf32, #tpu.memory_space<hbm>>
        tpu.wait_indirect_dma semaphore(%arg17 : memref<!tpu.dma_semaphore, #tpu.memory_space<semaphore_mem>>) src(%dma_wait3A_132 : memref<30000x128xf32, #tpu.memory_space<hbm>>) dst(%arg12 : memref<64x128xf32, #tpu.memory_space<vmem>>)
        %run_scoped3A_133 = arith.constant 2 : i32
        "tpu.region"() ({
          %run_scoped3A_223 = tpu.sem_alloc : memref<!tpu.dma_semaphore, #tpu.memory_space<semaphore_mem>>
          %dma_start3A_224 = arith.constant 0 : i32
          %dma_start3A_225 = tpu.memref_slice %arg8[%run_scoped3A_133, %dma_start3A_224] : memref<8x64xi32, #tpu.memory_space<vmem>> -> memref<1x64xi32, #tpu.memory_space<vmem>>
          %dma_start3A_226 = tpu.memref_squeeze %dma_start3A_225 : memref<1x64xi32, #tpu.memory_space<vmem>> -> memref<64xi32, #tpu.memory_space<vmem>>
          %dma_start3A_227 = arith.constant 0 : i32
          %dma_start3A_228 = arith.constant 0 : i32
          %dma_start3A_229 = tpu.memref_slice %arg14[%dma_start3A_227, %dma_start3A_228] : memref<10112x128xf32, #tpu.memory_space<vmem_shared>> -> memref<10112x128xf32, #tpu.memory_space<vmem_shared>>
          tpu.enqueue_indirect_dma source(%arg12 : memref<64x128xf32, #tpu.memory_space<vmem>>) target(%dma_start3A_229 : memref<10112x128xf32, #tpu.memory_space<vmem_shared>>) offsets(%dma_start3A_226 : memref<64xi32, #tpu.memory_space<vmem>>) semaphore(%run_scoped3A_223 : memref<!tpu.dma_semaphore, #tpu.memory_space<semaphore_mem>>) {add = true}
          %dma_wait3A_230 = arith.constant 0 : i32
          %dma_wait3A_231 = tpu.memref_slice %arg8[%run_scoped3A_133, %dma_wait3A_230] : memref<8x64xi32, #tpu.memory_space<vmem>> -> memref<1x64xi32, #tpu.memory_space<vmem>>
          %dma_wait3A_232 = tpu.memref_squeeze %dma_wait3A_231 : memref<1x64xi32, #tpu.memory_space<vmem>> -> memref<64xi32, #tpu.memory_space<vmem>>
          %dma_wait3A_233 = arith.constant 0 : i32
          %dma_wait3A_234 = arith.constant 0 : i32
          %dma_wait3A_235 = tpu.memref_slice %arg14[%dma_wait3A_233, %dma_wait3A_234] : memref<10112x128xf32, #tpu.memory_space<vmem_shared>> -> memref<10112x128xf32, #tpu.memory_space<vmem_shared>>
          tpu.wait_indirect_dma semaphore(%run_scoped3A_223 : memref<!tpu.dma_semaphore, #tpu.memory_space<semaphore_mem>>) src(%arg12 : memref<64x128xf32, #tpu.memory_space<vmem>>) dst(%dma_wait3A_235 : memref<10112x128xf32, #tpu.memory_space<vmem_shared>>)
          tpu.yield
        }) : () -> ()
        %dma_start3A_134 = arith.constant 6 : i32
        %dma_start3A_135 = arith.constant 0 : i32
        %dma_start3A_136 = tpu.memref_slice %arg6[%dma_start3A_134, %dma_start3A_135] : memref<8x64xi32, #tpu.memory_space<vmem>> -> memref<1x64xi32, #tpu.memory_space<vmem>>
        %dma_start3A_137 = tpu.memref_squeeze %dma_start3A_136 : memref<1x64xi32, #tpu.memory_space<vmem>> -> memref<64xi32, #tpu.memory_space<vmem>>
        %dma_start3A_138 = arith.constant 0 : i32
        %dma_start3A_139 = arith.constant 0 : i32
        %dma_start3A_140 = tpu.memref_slice %arg2[%dma_start3A_138, %dma_start3A_139] : memref<30000x128xf32, #tpu.memory_space<hbm>> -> memref<30000x128xf32, #tpu.memory_space<hbm>>
        tpu.enqueue_indirect_dma source(%dma_start3A_140 : memref<30000x128xf32, #tpu.memory_space<hbm>>) target(%arg12 : memref<64x128xf32, #tpu.memory_space<vmem>>) offsets(%dma_start3A_137 : memref<64xi32, #tpu.memory_space<vmem>>) semaphore(%arg17 : memref<!tpu.dma_semaphore, #tpu.memory_space<semaphore_mem>>)
        %dma_wait3A_141 = arith.constant 0 : i32
        %dma_wait3A_142 = arith.constant 0 : i32
        %dma_wait3A_143 = tpu.memref_slice %arg6[%dma_wait3A_141, %dma_wait3A_142] : memref<8x64xi32, #tpu.memory_space<vmem>> -> memref<1x64xi32, #tpu.memory_space<vmem>>
        %dma_wait3A_144 = tpu.memref_squeeze %dma_wait3A_143 : memref<1x64xi32, #tpu.memory_space<vmem>> -> memref<64xi32, #tpu.memory_space<vmem>>
        %dma_wait3A_145 = arith.constant 0 : i32
        %dma_wait3A_146 = arith.constant 0 : i32
        %dma_wait3A_147 = tpu.memref_slice %arg2[%dma_wait3A_145, %dma_wait3A_146] : memref<30000x128xf32, #tpu.memory_space<hbm>> -> memref<30000x128xf32, #tpu.memory_space<hbm>>
        tpu.wait_indirect_dma semaphore(%arg18 : memref<!tpu.dma_semaphore, #tpu.memory_space<semaphore_mem>>) src(%dma_wait3A_147 : memref<30000x128xf32, #tpu.memory_space<hbm>>) dst(%arg13 : memref<64x128xf32, #tpu.memory_space<vmem>>)
        %run_scoped3A_148 = arith.constant 3 : i32
        "tpu.region"() ({
          %run_scoped3A_223 = tpu.sem_alloc : memref<!tpu.dma_semaphore, #tpu.memory_space<semaphore_mem>>
          %dma_start3A_224 = arith.constant 0 : i32
          %dma_start3A_225 = tpu.memref_slice %arg8[%run_scoped3A_148, %dma_start3A_224] : memref<8x64xi32, #tpu.memory_space<vmem>> -> memref<1x64xi32, #tpu.memory_space<vmem>>
          %dma_start3A_226 = tpu.memref_squeeze %dma_start3A_225 : memref<1x64xi32, #tpu.memory_space<vmem>> -> memref<64xi32, #tpu.memory_space<vmem>>
          %dma_start3A_227 = arith.constant 0 : i32
          %dma_start3A_228 = arith.constant 0 : i32
          %dma_start3A_229 = tpu.memref_slice %arg14[%dma_start3A_227, %dma_start3A_228] : memref<10112x128xf32, #tpu.memory_space<vmem_shared>> -> memref<10112x128xf32, #tpu.memory_space<vmem_shared>>
          tpu.enqueue_indirect_dma source(%arg13 : memref<64x128xf32, #tpu.memory_space<vmem>>) target(%dma_start3A_229 : memref<10112x128xf32, #tpu.memory_space<vmem_shared>>) offsets(%dma_start3A_226 : memref<64xi32, #tpu.memory_space<vmem>>) semaphore(%run_scoped3A_223 : memref<!tpu.dma_semaphore, #tpu.memory_space<semaphore_mem>>) {add = true}
          %dma_wait3A_230 = arith.constant 0 : i32
          %dma_wait3A_231 = tpu.memref_slice %arg8[%run_scoped3A_148, %dma_wait3A_230] : memref<8x64xi32, #tpu.memory_space<vmem>> -> memref<1x64xi32, #tpu.memory_space<vmem>>
          %dma_wait3A_232 = tpu.memref_squeeze %dma_wait3A_231 : memref<1x64xi32, #tpu.memory_space<vmem>> -> memref<64xi32, #tpu.memory_space<vmem>>
          %dma_wait3A_233 = arith.constant 0 : i32
          %dma_wait3A_234 = arith.constant 0 : i32
          %dma_wait3A_235 = tpu.memref_slice %arg14[%dma_wait3A_233, %dma_wait3A_234] : memref<10112x128xf32, #tpu.memory_space<vmem_shared>> -> memref<10112x128xf32, #tpu.memory_space<vmem_shared>>
          tpu.wait_indirect_dma semaphore(%run_scoped3A_223 : memref<!tpu.dma_semaphore, #tpu.memory_space<semaphore_mem>>) src(%arg13 : memref<64x128xf32, #tpu.memory_space<vmem>>) dst(%dma_wait3A_235 : memref<10112x128xf32, #tpu.memory_space<vmem_shared>>)
          tpu.yield
        }) : () -> ()
        %dma_start3A_149 = arith.constant 7 : i32
        %dma_start3A_150 = arith.constant 0 : i32
        %dma_start3A_151 = tpu.memref_slice %arg6[%dma_start3A_149, %dma_start3A_150] : memref<8x64xi32, #tpu.memory_space<vmem>> -> memref<1x64xi32, #tpu.memory_space<vmem>>
        %dma_start3A_152 = tpu.memref_squeeze %dma_start3A_151 : memref<1x64xi32, #tpu.memory_space<vmem>> -> memref<64xi32, #tpu.memory_space<vmem>>
        %dma_start3A_153 = arith.constant 0 : i32
        %dma_start3A_154 = arith.constant 0 : i32
        %dma_start3A_155 = tpu.memref_slice %arg2[%dma_start3A_153, %dma_start3A_154] : memref<30000x128xf32, #tpu.memory_space<hbm>> -> memref<30000x128xf32, #tpu.memory_space<hbm>>
        tpu.enqueue_indirect_dma source(%dma_start3A_155 : memref<30000x128xf32, #tpu.memory_space<hbm>>) target(%arg13 : memref<64x128xf32, #tpu.memory_space<vmem>>) offsets(%dma_start3A_152 : memref<64xi32, #tpu.memory_space<vmem>>) semaphore(%arg18 : memref<!tpu.dma_semaphore, #tpu.memory_space<semaphore_mem>>)
        %dma_wait3A_156 = arith.constant 0 : i32
        %dma_wait3A_157 = arith.constant 0 : i32
        %dma_wait3A_158 = tpu.memref_slice %arg6[%dma_wait3A_156, %dma_wait3A_157] : memref<8x64xi32, #tpu.memory_space<vmem>> -> memref<1x64xi32, #tpu.memory_space<vmem>>
        %dma_wait3A_159 = tpu.memref_squeeze %dma_wait3A_158 : memref<1x64xi32, #tpu.memory_space<vmem>> -> memref<64xi32, #tpu.memory_space<vmem>>
        %dma_wait3A_160 = arith.constant 0 : i32
        %dma_wait3A_161 = arith.constant 0 : i32
        %dma_wait3A_162 = tpu.memref_slice %arg2[%dma_wait3A_160, %dma_wait3A_161] : memref<30000x128xf32, #tpu.memory_space<hbm>> -> memref<30000x128xf32, #tpu.memory_space<hbm>>
        tpu.wait_indirect_dma semaphore(%arg15 : memref<!tpu.dma_semaphore, #tpu.memory_space<semaphore_mem>>) src(%dma_wait3A_162 : memref<30000x128xf32, #tpu.memory_space<hbm>>) dst(%arg10 : memref<64x128xf32, #tpu.memory_space<vmem>>)
        %run_scoped3A_163 = arith.constant 4 : i32
        "tpu.region"() ({
          %run_scoped3A_223 = tpu.sem_alloc : memref<!tpu.dma_semaphore, #tpu.memory_space<semaphore_mem>>
          %dma_start3A_224 = arith.constant 0 : i32
          %dma_start3A_225 = tpu.memref_slice %arg8[%run_scoped3A_163, %dma_start3A_224] : memref<8x64xi32, #tpu.memory_space<vmem>> -> memref<1x64xi32, #tpu.memory_space<vmem>>
          %dma_start3A_226 = tpu.memref_squeeze %dma_start3A_225 : memref<1x64xi32, #tpu.memory_space<vmem>> -> memref<64xi32, #tpu.memory_space<vmem>>
          %dma_start3A_227 = arith.constant 0 : i32
          %dma_start3A_228 = arith.constant 0 : i32
          %dma_start3A_229 = tpu.memref_slice %arg14[%dma_start3A_227, %dma_start3A_228] : memref<10112x128xf32, #tpu.memory_space<vmem_shared>> -> memref<10112x128xf32, #tpu.memory_space<vmem_shared>>
          tpu.enqueue_indirect_dma source(%arg10 : memref<64x128xf32, #tpu.memory_space<vmem>>) target(%dma_start3A_229 : memref<10112x128xf32, #tpu.memory_space<vmem_shared>>) offsets(%dma_start3A_226 : memref<64xi32, #tpu.memory_space<vmem>>) semaphore(%run_scoped3A_223 : memref<!tpu.dma_semaphore, #tpu.memory_space<semaphore_mem>>) {add = true}
          %dma_wait3A_230 = arith.constant 0 : i32
          %dma_wait3A_231 = tpu.memref_slice %arg8[%run_scoped3A_163, %dma_wait3A_230] : memref<8x64xi32, #tpu.memory_space<vmem>> -> memref<1x64xi32, #tpu.memory_space<vmem>>
          %dma_wait3A_232 = tpu.memref_squeeze %dma_wait3A_231 : memref<1x64xi32, #tpu.memory_space<vmem>> -> memref<64xi32, #tpu.memory_space<vmem>>
          %dma_wait3A_233 = arith.constant 0 : i32
          %dma_wait3A_234 = arith.constant 0 : i32
          %dma_wait3A_235 = tpu.memref_slice %arg14[%dma_wait3A_233, %dma_wait3A_234] : memref<10112x128xf32, #tpu.memory_space<vmem_shared>> -> memref<10112x128xf32, #tpu.memory_space<vmem_shared>>
          tpu.wait_indirect_dma semaphore(%run_scoped3A_223 : memref<!tpu.dma_semaphore, #tpu.memory_space<semaphore_mem>>) src(%arg10 : memref<64x128xf32, #tpu.memory_space<vmem>>) dst(%dma_wait3A_235 : memref<10112x128xf32, #tpu.memory_space<vmem_shared>>)
          tpu.yield
        }) : () -> ()
        %add3A_164 = arith.constant 1 : i32
        %add3A_165 = arith.addi %scan3A_79, %add3A_164 : i32
        %lt3A_166 = arith.constant 19 : i32
        %lt3A_167 = arith.cmpi slt, %add3A_165, %lt3A_166 : i32
        %convert_element_type3A_168 = arith.extui %lt3A_167 : i1 to i32
        %cond3A_169 = arith.constant 0 : i32
        %cond3A_170 = arith.cmpi ne, %convert_element_type3A_168, %cond3A_169 : i32
        scf.if %cond3A_170 {
          %dma_start3A_223 = arith.constant 0 : i32
          %dma_start3A_224 = arith.constant 0 : i32
          %dma_start3A_225 = tpu.memref_slice %arg7[%dma_start3A_223, %dma_start3A_224] : memref<8x64xi32, #tpu.memory_space<vmem>> -> memref<1x64xi32, #tpu.memory_space<vmem>>
          %dma_start3A_226 = tpu.memref_squeeze %dma_start3A_225 : memref<1x64xi32, #tpu.memory_space<vmem>> -> memref<64xi32, #tpu.memory_space<vmem>>
          %dma_start3A_227 = arith.constant 0 : i32
          %dma_start3A_228 = arith.constant 0 : i32
          %dma_start3A_229 = tpu.memref_slice %arg2[%dma_start3A_227, %dma_start3A_228] : memref<30000x128xf32, #tpu.memory_space<hbm>> -> memref<30000x128xf32, #tpu.memory_space<hbm>>
          tpu.enqueue_indirect_dma source(%dma_start3A_229 : memref<30000x128xf32, #tpu.memory_space<hbm>>) target(%arg10 : memref<64x128xf32, #tpu.memory_space<vmem>>) offsets(%dma_start3A_226 : memref<64xi32, #tpu.memory_space<vmem>>) semaphore(%arg15 : memref<!tpu.dma_semaphore, #tpu.memory_space<semaphore_mem>>)
        } else {
        }
        %dma_wait3A_171 = arith.constant 0 : i32
        %dma_wait3A_172 = arith.constant 0 : i32
        %dma_wait3A_173 = tpu.memref_slice %arg6[%dma_wait3A_171, %dma_wait3A_172] : memref<8x64xi32, #tpu.memory_space<vmem>> -> memref<1x64xi32, #tpu.memory_space<vmem>>
        %dma_wait3A_174 = tpu.memref_squeeze %dma_wait3A_173 : memref<1x64xi32, #tpu.memory_space<vmem>> -> memref<64xi32, #tpu.memory_space<vmem>>
        %dma_wait3A_175 = arith.constant 0 : i32
        %dma_wait3A_176 = arith.constant 0 : i32
        %dma_wait3A_177 = tpu.memref_slice %arg2[%dma_wait3A_175, %dma_wait3A_176] : memref<30000x128xf32, #tpu.memory_space<hbm>> -> memref<30000x128xf32, #tpu.memory_space<hbm>>
        tpu.wait_indirect_dma semaphore(%arg16 : memref<!tpu.dma_semaphore, #tpu.memory_space<semaphore_mem>>) src(%dma_wait3A_177 : memref<30000x128xf32, #tpu.memory_space<hbm>>) dst(%arg11 : memref<64x128xf32, #tpu.memory_space<vmem>>)
        %run_scoped3A_178 = arith.constant 5 : i32
        "tpu.region"() ({
          %run_scoped3A_223 = tpu.sem_alloc : memref<!tpu.dma_semaphore, #tpu.memory_space<semaphore_mem>>
          %dma_start3A_224 = arith.constant 0 : i32
          %dma_start3A_225 = tpu.memref_slice %arg8[%run_scoped3A_178, %dma_start3A_224] : memref<8x64xi32, #tpu.memory_space<vmem>> -> memref<1x64xi32, #tpu.memory_space<vmem>>
          %dma_start3A_226 = tpu.memref_squeeze %dma_start3A_225 : memref<1x64xi32, #tpu.memory_space<vmem>> -> memref<64xi32, #tpu.memory_space<vmem>>
          %dma_start3A_227 = arith.constant 0 : i32
          %dma_start3A_228 = arith.constant 0 : i32
          %dma_start3A_229 = tpu.memref_slice %arg14[%dma_start3A_227, %dma_start3A_228] : memref<10112x128xf32, #tpu.memory_space<vmem_shared>> -> memref<10112x128xf32, #tpu.memory_space<vmem_shared>>
          tpu.enqueue_indirect_dma source(%arg11 : memref<64x128xf32, #tpu.memory_space<vmem>>) target(%dma_start3A_229 : memref<10112x128xf32, #tpu.memory_space<vmem_shared>>) offsets(%dma_start3A_226 : memref<64xi32, #tpu.memory_space<vmem>>) semaphore(%run_scoped3A_223 : memref<!tpu.dma_semaphore, #tpu.memory_space<semaphore_mem>>) {add = true}
          %dma_wait3A_230 = arith.constant 0 : i32
          %dma_wait3A_231 = tpu.memref_slice %arg8[%run_scoped3A_178, %dma_wait3A_230] : memref<8x64xi32, #tpu.memory_space<vmem>> -> memref<1x64xi32, #tpu.memory_space<vmem>>
          %dma_wait3A_232 = tpu.memref_squeeze %dma_wait3A_231 : memref<1x64xi32, #tpu.memory_space<vmem>> -> memref<64xi32, #tpu.memory_space<vmem>>
          %dma_wait3A_233 = arith.constant 0 : i32
          %dma_wait3A_234 = arith.constant 0 : i32
          %dma_wait3A_235 = tpu.memref_slice %arg14[%dma_wait3A_233, %dma_wait3A_234] : memref<10112x128xf32, #tpu.memory_space<vmem_shared>> -> memref<10112x128xf32, #tpu.memory_space<vmem_shared>>
          tpu.wait_indirect_dma semaphore(%run_scoped3A_223 : memref<!tpu.dma_semaphore, #tpu.memory_space<semaphore_mem>>) src(%arg11 : memref<64x128xf32, #tpu.memory_space<vmem>>) dst(%dma_wait3A_235 : memref<10112x128xf32, #tpu.memory_space<vmem_shared>>)
          tpu.yield
        }) : () -> ()
        %add3A_179 = arith.constant 1 : i32
        %add3A_180 = arith.addi %scan3A_79, %add3A_179 : i32
        %lt3A_181 = arith.constant 19 : i32
        %lt3A_182 = arith.cmpi slt, %add3A_180, %lt3A_181 : i32
        %convert_element_type3A_183 = arith.extui %lt3A_182 : i1 to i32
        %cond3A_184 = arith.constant 0 : i32
        %cond3A_185 = arith.cmpi ne, %convert_element_type3A_183, %cond3A_184 : i32
        scf.if %cond3A_185 {
          %dma_start3A_223 = arith.constant 1 : i32
          %dma_start3A_224 = arith.constant 0 : i32
          %dma_start3A_225 = tpu.memref_slice %arg7[%dma_start3A_223, %dma_start3A_224] : memref<8x64xi32, #tpu.memory_space<vmem>> -> memref<1x64xi32, #tpu.memory_space<vmem>>
          %dma_start3A_226 = tpu.memref_squeeze %dma_start3A_225 : memref<1x64xi32, #tpu.memory_space<vmem>> -> memref<64xi32, #tpu.memory_space<vmem>>
          %dma_start3A_227 = arith.constant 0 : i32
          %dma_start3A_228 = arith.constant 0 : i32
          %dma_start3A_229 = tpu.memref_slice %arg2[%dma_start3A_227, %dma_start3A_228] : memref<30000x128xf32, #tpu.memory_space<hbm>> -> memref<30000x128xf32, #tpu.memory_space<hbm>>
          tpu.enqueue_indirect_dma source(%dma_start3A_229 : memref<30000x128xf32, #tpu.memory_space<hbm>>) target(%arg11 : memref<64x128xf32, #tpu.memory_space<vmem>>) offsets(%dma_start3A_226 : memref<64xi32, #tpu.memory_space<vmem>>) semaphore(%arg16 : memref<!tpu.dma_semaphore, #tpu.memory_space<semaphore_mem>>)
        } else {
        }
        %dma_wait3A_186 = arith.constant 0 : i32
        %dma_wait3A_187 = arith.constant 0 : i32
        %dma_wait3A_188 = tpu.memref_slice %arg6[%dma_wait3A_186, %dma_wait3A_187] : memref<8x64xi32, #tpu.memory_space<vmem>> -> memref<1x64xi32, #tpu.memory_space<vmem>>
        %dma_wait3A_189 = tpu.memref_squeeze %dma_wait3A_188 : memref<1x64xi32, #tpu.memory_space<vmem>> -> memref<64xi32, #tpu.memory_space<vmem>>
        %dma_wait3A_190 = arith.constant 0 : i32
        %dma_wait3A_191 = arith.constant 0 : i32
        %dma_wait3A_192 = tpu.memref_slice %arg2[%dma_wait3A_190, %dma_wait3A_191] : memref<30000x128xf32, #tpu.memory_space<hbm>> -> memref<30000x128xf32, #tpu.memory_space<hbm>>
        tpu.wait_indirect_dma semaphore(%arg17 : memref<!tpu.dma_semaphore, #tpu.memory_space<semaphore_mem>>) src(%dma_wait3A_192 : memref<30000x128xf32, #tpu.memory_space<hbm>>) dst(%arg12 : memref<64x128xf32, #tpu.memory_space<vmem>>)
        %run_scoped3A_193 = arith.constant 6 : i32
        "tpu.region"() ({
          %run_scoped3A_223 = tpu.sem_alloc : memref<!tpu.dma_semaphore, #tpu.memory_space<semaphore_mem>>
          %dma_start3A_224 = arith.constant 0 : i32
          %dma_start3A_225 = tpu.memref_slice %arg8[%run_scoped3A_193, %dma_start3A_224] : memref<8x64xi32, #tpu.memory_space<vmem>> -> memref<1x64xi32, #tpu.memory_space<vmem>>
          %dma_start3A_226 = tpu.memref_squeeze %dma_start3A_225 : memref<1x64xi32, #tpu.memory_space<vmem>> -> memref<64xi32, #tpu.memory_space<vmem>>
          %dma_start3A_227 = arith.constant 0 : i32
          %dma_start3A_228 = arith.constant 0 : i32
          %dma_start3A_229 = tpu.memref_slice %arg14[%dma_start3A_227, %dma_start3A_228] : memref<10112x128xf32, #tpu.memory_space<vmem_shared>> -> memref<10112x128xf32, #tpu.memory_space<vmem_shared>>
          tpu.enqueue_indirect_dma source(%arg12 : memref<64x128xf32, #tpu.memory_space<vmem>>) target(%dma_start3A_229 : memref<10112x128xf32, #tpu.memory_space<vmem_shared>>) offsets(%dma_start3A_226 : memref<64xi32, #tpu.memory_space<vmem>>) semaphore(%run_scoped3A_223 : memref<!tpu.dma_semaphore, #tpu.memory_space<semaphore_mem>>) {add = true}
          %dma_wait3A_230 = arith.constant 0 : i32
          %dma_wait3A_231 = tpu.memref_slice %arg8[%run_scoped3A_193, %dma_wait3A_230] : memref<8x64xi32, #tpu.memory_space<vmem>> -> memref<1x64xi32, #tpu.memory_space<vmem>>
          %dma_wait3A_232 = tpu.memref_squeeze %dma_wait3A_231 : memref<1x64xi32, #tpu.memory_space<vmem>> -> memref<64xi32, #tpu.memory_space<vmem>>
          %dma_wait3A_233 = arith.constant 0 : i32
          %dma_wait3A_234 = arith.constant 0 : i32
          %dma_wait3A_235 = tpu.memref_slice %arg14[%dma_wait3A_233, %dma_wait3A_234] : memref<10112x128xf32, #tpu.memory_space<vmem_shared>> -> memref<10112x128xf32, #tpu.memory_space<vmem_shared>>
          tpu.wait_indirect_dma semaphore(%run_scoped3A_223 : memref<!tpu.dma_semaphore, #tpu.memory_space<semaphore_mem>>) src(%arg12 : memref<64x128xf32, #tpu.memory_space<vmem>>) dst(%dma_wait3A_235 : memref<10112x128xf32, #tpu.memory_space<vmem_shared>>)
          tpu.yield
        }) : () -> ()
        %add3A_194 = arith.constant 1 : i32
        %add3A_195 = arith.addi %scan3A_79, %add3A_194 : i32
        %lt3A_196 = arith.constant 19 : i32
        %lt3A_197 = arith.cmpi slt, %add3A_195, %lt3A_196 : i32
        %convert_element_type3A_198 = arith.extui %lt3A_197 : i1 to i32
        %cond3A_199 = arith.constant 0 : i32
        %cond3A_200 = arith.cmpi ne, %convert_element_type3A_198, %cond3A_199 : i32
        scf.if %cond3A_200 {
          %dma_start3A_223 = arith.constant 2 : i32
          %dma_start3A_224 = arith.constant 0 : i32
          %dma_start3A_225 = tpu.memref_slice %arg7[%dma_start3A_223, %dma_start3A_224] : memref<8x64xi32, #tpu.memory_space<vmem>> -> memref<1x64xi32, #tpu.memory_space<vmem>>
          %dma_start3A_226 = tpu.memref_squeeze %dma_start3A_225 : memref<1x64xi32, #tpu.memory_space<vmem>> -> memref<64xi32, #tpu.memory_space<vmem>>
          %dma_start3A_227 = arith.constant 0 : i32
          %dma_start3A_228 = arith.constant 0 : i32
          %dma_start3A_229 = tpu.memref_slice %arg2[%dma_start3A_227, %dma_start3A_228] : memref<30000x128xf32, #tpu.memory_space<hbm>> -> memref<30000x128xf32, #tpu.memory_space<hbm>>
          tpu.enqueue_indirect_dma source(%dma_start3A_229 : memref<30000x128xf32, #tpu.memory_space<hbm>>) target(%arg12 : memref<64x128xf32, #tpu.memory_space<vmem>>) offsets(%dma_start3A_226 : memref<64xi32, #tpu.memory_space<vmem>>) semaphore(%arg17 : memref<!tpu.dma_semaphore, #tpu.memory_space<semaphore_mem>>)
        } else {
        }
        %dma_wait3A_201 = arith.constant 0 : i32
        %dma_wait3A_202 = arith.constant 0 : i32
        %dma_wait3A_203 = tpu.memref_slice %arg6[%dma_wait3A_201, %dma_wait3A_202] : memref<8x64xi32, #tpu.memory_space<vmem>> -> memref<1x64xi32, #tpu.memory_space<vmem>>
        %dma_wait3A_204 = tpu.memref_squeeze %dma_wait3A_203 : memref<1x64xi32, #tpu.memory_space<vmem>> -> memref<64xi32, #tpu.memory_space<vmem>>
        %dma_wait3A_205 = arith.constant 0 : i32
        %dma_wait3A_206 = arith.constant 0 : i32
        %dma_wait3A_207 = tpu.memref_slice %arg2[%dma_wait3A_205, %dma_wait3A_206] : memref<30000x128xf32, #tpu.memory_space<hbm>> -> memref<30000x128xf32, #tpu.memory_space<hbm>>
        tpu.wait_indirect_dma semaphore(%arg18 : memref<!tpu.dma_semaphore, #tpu.memory_space<semaphore_mem>>) src(%dma_wait3A_207 : memref<30000x128xf32, #tpu.memory_space<hbm>>) dst(%arg13 : memref<64x128xf32, #tpu.memory_space<vmem>>)
        %run_scoped3A_208 = arith.constant 7 : i32
        "tpu.region"() ({
          %run_scoped3A_223 = tpu.sem_alloc : memref<!tpu.dma_semaphore, #tpu.memory_space<semaphore_mem>>
          %dma_start3A_224 = arith.constant 0 : i32
          %dma_start3A_225 = tpu.memref_slice %arg8[%run_scoped3A_208, %dma_start3A_224] : memref<8x64xi32, #tpu.memory_space<vmem>> -> memref<1x64xi32, #tpu.memory_space<vmem>>
          %dma_start3A_226 = tpu.memref_squeeze %dma_start3A_225 : memref<1x64xi32, #tpu.memory_space<vmem>> -> memref<64xi32, #tpu.memory_space<vmem>>
          %dma_start3A_227 = arith.constant 0 : i32
          %dma_start3A_228 = arith.constant 0 : i32
          %dma_start3A_229 = tpu.memref_slice %arg14[%dma_start3A_227, %dma_start3A_228] : memref<10112x128xf32, #tpu.memory_space<vmem_shared>> -> memref<10112x128xf32, #tpu.memory_space<vmem_shared>>
          tpu.enqueue_indirect_dma source(%arg13 : memref<64x128xf32, #tpu.memory_space<vmem>>) target(%dma_start3A_229 : memref<10112x128xf32, #tpu.memory_space<vmem_shared>>) offsets(%dma_start3A_226 : memref<64xi32, #tpu.memory_space<vmem>>) semaphore(%run_scoped3A_223 : memref<!tpu.dma_semaphore, #tpu.memory_space<semaphore_mem>>) {add = true}
          %dma_wait3A_230 = arith.constant 0 : i32
          %dma_wait3A_231 = tpu.memref_slice %arg8[%run_scoped3A_208, %dma_wait3A_230] : memref<8x64xi32, #tpu.memory_space<vmem>> -> memref<1x64xi32, #tpu.memory_space<vmem>>
          %dma_wait3A_232 = tpu.memref_squeeze %dma_wait3A_231 : memref<1x64xi32, #tpu.memory_space<vmem>> -> memref<64xi32, #tpu.memory_space<vmem>>
          %dma_wait3A_233 = arith.constant 0 : i32
          %dma_wait3A_234 = arith.constant 0 : i32
          %dma_wait3A_235 = tpu.memref_slice %arg14[%dma_wait3A_233, %dma_wait3A_234] : memref<10112x128xf32, #tpu.memory_space<vmem_shared>> -> memref<10112x128xf32, #tpu.memory_space<vmem_shared>>
          tpu.wait_indirect_dma semaphore(%run_scoped3A_223 : memref<!tpu.dma_semaphore, #tpu.memory_space<semaphore_mem>>) src(%arg13 : memref<64x128xf32, #tpu.memory_space<vmem>>) dst(%dma_wait3A_235 : memref<10112x128xf32, #tpu.memory_space<vmem_shared>>)
          tpu.yield
        }) : () -> ()
        %add3A_209 = arith.constant 1 : i32
        %add3A_210 = arith.addi %scan3A_79, %add3A_209 : i32
        %lt3A_211 = arith.constant 19 : i32
        %lt3A_212 = arith.cmpi slt, %add3A_210, %lt3A_211 : i32
        %convert_element_type3A_213 = arith.extui %lt3A_212 : i1 to i32
        %cond3A_214 = arith.constant 0 : i32
        %cond3A_215 = arith.cmpi ne, %convert_element_type3A_213, %cond3A_214 : i32
        scf.if %cond3A_215 {
          %dma_start3A_223 = arith.constant 3 : i32
          %dma_start3A_224 = arith.constant 0 : i32
          %dma_start3A_225 = tpu.memref_slice %arg7[%dma_start3A_223, %dma_start3A_224] : memref<8x64xi32, #tpu.memory_space<vmem>> -> memref<1x64xi32, #tpu.memory_space<vmem>>
          %dma_start3A_226 = tpu.memref_squeeze %dma_start3A_225 : memref<1x64xi32, #tpu.memory_space<vmem>> -> memref<64xi32, #tpu.memory_space<vmem>>
          %dma_start3A_227 = arith.constant 0 : i32
          %dma_start3A_228 = arith.constant 0 : i32
          %dma_start3A_229 = tpu.memref_slice %arg2[%dma_start3A_227, %dma_start3A_228] : memref<30000x128xf32, #tpu.memory_space<hbm>> -> memref<30000x128xf32, #tpu.memory_space<hbm>>
          tpu.enqueue_indirect_dma source(%dma_start3A_229 : memref<30000x128xf32, #tpu.memory_space<hbm>>) target(%arg13 : memref<64x128xf32, #tpu.memory_space<vmem>>) offsets(%dma_start3A_226 : memref<64xi32, #tpu.memory_space<vmem>>) semaphore(%arg18 : memref<!tpu.dma_semaphore, #tpu.memory_space<semaphore_mem>>)
        } else {
        }
        %add3A_216 = arith.constant 2 : i32
        %add3A_217 = arith.addi %scan3A_79, %add3A_216 : i32
        %lt3A_218 = arith.constant 19 : i32
        %lt3A_219 = arith.cmpi slt, %add3A_217, %lt3A_218 : i32
        %convert_element_type3A_220 = arith.extui %lt3A_219 : i1 to i32
        %cond3A_221 = arith.constant 0 : i32
        %cond3A_222 = arith.cmpi ne, %convert_element_type3A_220, %cond3A_221 : i32
        scf.if %cond3A_222 {
          %add3A_223 = arith.constant 2 : i32
          %add3A_224 = arith.addi %scan3A_79, %add3A_223 : i32
          %mul3A_225 = arith.constant 8 : i32
          %mul3A_226 = arith.muli %add3A_224, %mul3A_225 : i32
          %mul3A_227 = arith.constant 8 : i32
          %mul3A_228 = arith.muli %add3A_224, %mul3A_227 : i32
          %dma_start3A_229 = arith.constant 0 : i32
          %dma_start3A_230 = tpu.memref_slice %arg3[%add3A, %mul3A_226, %dma_start3A_229] : memref<32x152x64xi32, #tpu.memory_space<hbm>> -> memref<1x8x64xi32, #tpu.memory_space<hbm>>
          %dma_start3A_231 = tpu.memref_squeeze %dma_start3A_230 : memref<1x8x64xi32, #tpu.memory_space<hbm>> -> memref<8x64xi32, #tpu.memory_space<hbm>>
          %dma_start3A_232 = arith.constant 0 : i32
          %dma_start3A_233 = tpu.memref_slice %arg3[%add3A, %mul3A_226, %dma_start3A_232] : memref<32x152x64xi32, #tpu.memory_space<hbm>> -> memref<1x8x64xi32, #tpu.memory_space<hbm>>
          %dma_start3A_234 = tpu.memref_squeeze %dma_start3A_233 : memref<1x8x64xi32, #tpu.memory_space<hbm>> -> memref<8x64xi32, #tpu.memory_space<hbm>>
          tpu.enqueue_dma source(%dma_start3A_234 : memref<8x64xi32, #tpu.memory_space<hbm>>) target(%arg6 : memref<8x64xi32, #tpu.memory_space<vmem>>) target_semaphore(%arg19 : memref<!tpu.dma_semaphore, #tpu.memory_space<semaphore_mem>>)
          %dma_start3A_235 = arith.constant 0 : i32
          %dma_start3A_236 = tpu.memref_slice %arg4[%add3A, %mul3A_228, %dma_start3A_235] : memref<32x152x64xi32, #tpu.memory_space<hbm>> -> memref<1x8x64xi32, #tpu.memory_space<hbm>>
          %dma_start3A_237 = tpu.memref_squeeze %dma_start3A_236 : memref<1x8x64xi32, #tpu.memory_space<hbm>> -> memref<8x64xi32, #tpu.memory_space<hbm>>
          %dma_start3A_238 = arith.constant 0 : i32
          %dma_start3A_239 = tpu.memref_slice %arg4[%add3A, %mul3A_228, %dma_start3A_238] : memref<32x152x64xi32, #tpu.memory_space<hbm>> -> memref<1x8x64xi32, #tpu.memory_space<hbm>>
          %dma_start3A_240 = tpu.memref_squeeze %dma_start3A_239 : memref<1x8x64xi32, #tpu.memory_space<hbm>> -> memref<8x64xi32, #tpu.memory_space<hbm>>
          tpu.enqueue_dma source(%dma_start3A_240 : memref<8x64xi32, #tpu.memory_space<hbm>>) target(%arg8 : memref<8x64xi32, #tpu.memory_space<vmem>>) target_semaphore(%arg21 : memref<!tpu.dma_semaphore, #tpu.memory_space<semaphore_mem>>)
        } else {
        }
      } else {
      }
      %eq3A_87 = arith.constant 1 : i32
      %eq3A_88 = arith.cmpi eq, %rem3A_80, %eq3A_87 : i32
      %convert_element_type3A_89 = arith.extui %eq3A_88 : i1 to i32
      %cond3A_90 = arith.constant 0 : i32
      %cond3A_91 = arith.cmpi ne, %convert_element_type3A_89, %cond3A_90 : i32
      scf.if %cond3A_91 {
        %add3A_92 = arith.constant 1 : i32
        %add3A_93 = arith.addi %scan3A_79, %add3A_92 : i32
        %lt3A = arith.constant 19 : i32
        %lt3A_94 = arith.cmpi slt, %add3A_93, %lt3A : i32
        %convert_element_type3A_95 = arith.extui %lt3A_94 : i1 to i32
        %cond3A_96 = arith.constant 0 : i32
        %cond3A_97 = arith.cmpi ne, %convert_element_type3A_95, %cond3A_96 : i32
        scf.if %cond3A_97 {
          %dma_wait3A_223 = arith.constant 0 : i32
          %dma_wait3A_224 = arith.constant 0 : i32
          %dma_wait3A_225 = tpu.memref_slice %arg3[%add3A, %dma_wait3A_223, %dma_wait3A_224] : memref<32x152x64xi32, #tpu.memory_space<hbm>> -> memref<1x8x64xi32, #tpu.memory_space<hbm>>
          %dma_wait3A_226 = tpu.memref_squeeze %dma_wait3A_225 : memref<1x8x64xi32, #tpu.memory_space<hbm>> -> memref<8x64xi32, #tpu.memory_space<hbm>>
          %dma_wait3A_227 = arith.constant 0 : i32
          %dma_wait3A_228 = arith.constant 0 : i32
          %dma_wait3A_229 = tpu.memref_slice %arg3[%add3A, %dma_wait3A_227, %dma_wait3A_228] : memref<32x152x64xi32, #tpu.memory_space<hbm>> -> memref<1x8x64xi32, #tpu.memory_space<hbm>>
          %dma_wait3A_230 = tpu.memref_squeeze %dma_wait3A_229 : memref<1x8x64xi32, #tpu.memory_space<hbm>> -> memref<8x64xi32, #tpu.memory_space<hbm>>
          tpu.wait_dma2 semaphore(%arg19 : memref<!tpu.dma_semaphore, #tpu.memory_space<semaphore_mem>>) src(%dma_wait3A_230 : memref<8x64xi32, #tpu.memory_space<hbm>>) dst(%arg6 : memref<8x64xi32, #tpu.memory_space<vmem>>)
          %dma_wait3A_231 = arith.constant 0 : i32
          %dma_wait3A_232 = arith.constant 0 : i32
          %dma_wait3A_233 = tpu.memref_slice %arg4[%add3A, %dma_wait3A_231, %dma_wait3A_232] : memref<32x152x64xi32, #tpu.memory_space<hbm>> -> memref<1x8x64xi32, #tpu.memory_space<hbm>>
          %dma_wait3A_234 = tpu.memref_squeeze %dma_wait3A_233 : memref<1x8x64xi32, #tpu.memory_space<hbm>> -> memref<8x64xi32, #tpu.memory_space<hbm>>
          %dma_wait3A_235 = arith.constant 0 : i32
          %dma_wait3A_236 = arith.constant 0 : i32
          %dma_wait3A_237 = tpu.memref_slice %arg4[%add3A, %dma_wait3A_235, %dma_wait3A_236] : memref<32x152x64xi32, #tpu.memory_space<hbm>> -> memref<1x8x64xi32, #tpu.memory_space<hbm>>
          %dma_wait3A_238 = tpu.memref_squeeze %dma_wait3A_237 : memref<1x8x64xi32, #tpu.memory_space<hbm>> -> memref<8x64xi32, #tpu.memory_space<hbm>>
          tpu.wait_dma2 semaphore(%arg21 : memref<!tpu.dma_semaphore, #tpu.memory_space<semaphore_mem>>) src(%dma_wait3A_238 : memref<8x64xi32, #tpu.memory_space<hbm>>) dst(%arg8 : memref<8x64xi32, #tpu.memory_space<vmem>>)
        } else {
        }
        %dma_wait3A = arith.constant 0 : i32
        %dma_wait3A_98 = arith.constant 0 : i32
        %dma_wait3A_99 = tpu.memref_slice %arg6[%dma_wait3A, %dma_wait3A_98] : memref<8x64xi32, #tpu.memory_space<vmem>> -> memref<1x64xi32, #tpu.memory_space<vmem>>
        %dma_wait3A_100 = tpu.memref_squeeze %dma_wait3A_99 : memref<1x64xi32, #tpu.memory_space<vmem>> -> memref<64xi32, #tpu.memory_space<vmem>>
        %dma_wait3A_101 = arith.constant 0 : i32
        %dma_wait3A_102 = arith.constant 0 : i32
        %dma_wait3A_103 = tpu.memref_slice %arg2[%dma_wait3A_101, %dma_wait3A_102] : memref<30000x128xf32, #tpu.memory_space<hbm>> -> memref<30000x128xf32, #tpu.memory_space<hbm>>
        tpu.wait_indirect_dma semaphore(%arg15 : memref<!tpu.dma_semaphore, #tpu.memory_space<semaphore_mem>>) src(%dma_wait3A_103 : memref<30000x128xf32, #tpu.memory_space<hbm>>) dst(%arg10 : memref<64x128xf32, #tpu.memory_space<vmem>>)
        %run_scoped3A = arith.constant 0 : i32
        "tpu.region"() ({
          %run_scoped3A_223 = tpu.sem_alloc : memref<!tpu.dma_semaphore, #tpu.memory_space<semaphore_mem>>
          %dma_start3A_224 = arith.constant 0 : i32
          %dma_start3A_225 = tpu.memref_slice %arg9[%run_scoped3A, %dma_start3A_224] : memref<8x64xi32, #tpu.memory_space<vmem>> -> memref<1x64xi32, #tpu.memory_space<vmem>>
          %dma_start3A_226 = tpu.memref_squeeze %dma_start3A_225 : memref<1x64xi32, #tpu.memory_space<vmem>> -> memref<64xi32, #tpu.memory_space<vmem>>
          %dma_start3A_227 = arith.constant 0 : i32
          %dma_start3A_228 = arith.constant 0 : i32
          %dma_start3A_229 = tpu.memref_slice %arg14[%dma_start3A_227, %dma_start3A_228] : memref<10112x128xf32, #tpu.memory_space<vmem_shared>> -> memref<10112x128xf32, #tpu.memory_space<vmem_shared>>
          tpu.enqueue_indirect_dma source(%arg10 : memref<64x128xf32, #tpu.memory_space<vmem>>) target(%dma_start3A_229 : memref<10112x128xf32, #tpu.memory_space<vmem_shared>>) offsets(%dma_start3A_226 : memref<64xi32, #tpu.memory_space<vmem>>) semaphore(%run_scoped3A_223 : memref<!tpu.dma_semaphore, #tpu.memory_space<semaphore_mem>>) {add = true}
          %dma_wait3A_230 = arith.constant 0 : i32
          %dma_wait3A_231 = tpu.memref_slice %arg9[%run_scoped3A, %dma_wait3A_230] : memref<8x64xi32, #tpu.memory_space<vmem>> -> memref<1x64xi32, #tpu.memory_space<vmem>>
          %dma_wait3A_232 = tpu.memref_squeeze %dma_wait3A_231 : memref<1x64xi32, #tpu.memory_space<vmem>> -> memref<64xi32, #tpu.memory_space<vmem>>
          %dma_wait3A_233 = arith.constant 0 : i32
          %dma_wait3A_234 = arith.constant 0 : i32
          %dma_wait3A_235 = tpu.memref_slice %arg14[%dma_wait3A_233, %dma_wait3A_234] : memref<10112x128xf32, #tpu.memory_space<vmem_shared>> -> memref<10112x128xf32, #tpu.memory_space<vmem_shared>>
          tpu.wait_indirect_dma semaphore(%run_scoped3A_223 : memref<!tpu.dma_semaphore, #tpu.memory_space<semaphore_mem>>) src(%arg10 : memref<64x128xf32, #tpu.memory_space<vmem>>) dst(%dma_wait3A_235 : memref<10112x128xf32, #tpu.memory_space<vmem_shared>>)
          tpu.yield
        }) : () -> ()
        %dma_start3A_104 = arith.constant 4 : i32
        %dma_start3A_105 = arith.constant 0 : i32
        %dma_start3A_106 = tpu.memref_slice %arg7[%dma_start3A_104, %dma_start3A_105] : memref<8x64xi32, #tpu.memory_space<vmem>> -> memref<1x64xi32, #tpu.memory_space<vmem>>
        %dma_start3A_107 = tpu.memref_squeeze %dma_start3A_106 : memref<1x64xi32, #tpu.memory_space<vmem>> -> memref<64xi32, #tpu.memory_space<vmem>>
        %dma_start3A_108 = arith.constant 0 : i32
        %dma_start3A_109 = arith.constant 0 : i32
        %dma_start3A_110 = tpu.memref_slice %arg2[%dma_start3A_108, %dma_start3A_109] : memref<30000x128xf32, #tpu.memory_space<hbm>> -> memref<30000x128xf32, #tpu.memory_space<hbm>>
        tpu.enqueue_indirect_dma source(%dma_start3A_110 : memref<30000x128xf32, #tpu.memory_space<hbm>>) target(%arg10 : memref<64x128xf32, #tpu.memory_space<vmem>>) offsets(%dma_start3A_107 : memref<64xi32, #tpu.memory_space<vmem>>) semaphore(%arg15 : memref<!tpu.dma_semaphore, #tpu.memory_space<semaphore_mem>>)
        %dma_wait3A_111 = arith.constant 0 : i32
        %dma_wait3A_112 = arith.constant 0 : i32
        %dma_wait3A_113 = tpu.memref_slice %arg6[%dma_wait3A_111, %dma_wait3A_112] : memref<8x64xi32, #tpu.memory_space<vmem>> -> memref<1x64xi32, #tpu.memory_space<vmem>>
        %dma_wait3A_114 = tpu.memref_squeeze %dma_wait3A_113 : memref<1x64xi32, #tpu.memory_space<vmem>> -> memref<64xi32, #tpu.memory_space<vmem>>
        %dma_wait3A_115 = arith.constant 0 : i32
        %dma_wait3A_116 = arith.constant 0 : i32
        %dma_wait3A_117 = tpu.memref_slice %arg2[%dma_wait3A_115, %dma_wait3A_116] : memref<30000x128xf32, #tpu.memory_space<hbm>> -> memref<30000x128xf32, #tpu.memory_space<hbm>>
        tpu.wait_indirect_dma semaphore(%arg16 : memref<!tpu.dma_semaphore, #tpu.memory_space<semaphore_mem>>) src(%dma_wait3A_117 : memref<30000x128xf32, #tpu.memory_space<hbm>>) dst(%arg11 : memref<64x128xf32, #tpu.memory_space<vmem>>)
        %run_scoped3A_118 = arith.constant 1 : i32
        "tpu.region"() ({
          %run_scoped3A_223 = tpu.sem_alloc : memref<!tpu.dma_semaphore, #tpu.memory_space<semaphore_mem>>
          %dma_start3A_224 = arith.constant 0 : i32
          %dma_start3A_225 = tpu.memref_slice %arg9[%run_scoped3A_118, %dma_start3A_224] : memref<8x64xi32, #tpu.memory_space<vmem>> -> memref<1x64xi32, #tpu.memory_space<vmem>>
          %dma_start3A_226 = tpu.memref_squeeze %dma_start3A_225 : memref<1x64xi32, #tpu.memory_space<vmem>> -> memref<64xi32, #tpu.memory_space<vmem>>
          %dma_start3A_227 = arith.constant 0 : i32
          %dma_start3A_228 = arith.constant 0 : i32
          %dma_start3A_229 = tpu.memref_slice %arg14[%dma_start3A_227, %dma_start3A_228] : memref<10112x128xf32, #tpu.memory_space<vmem_shared>> -> memref<10112x128xf32, #tpu.memory_space<vmem_shared>>
          tpu.enqueue_indirect_dma source(%arg11 : memref<64x128xf32, #tpu.memory_space<vmem>>) target(%dma_start3A_229 : memref<10112x128xf32, #tpu.memory_space<vmem_shared>>) offsets(%dma_start3A_226 : memref<64xi32, #tpu.memory_space<vmem>>) semaphore(%run_scoped3A_223 : memref<!tpu.dma_semaphore, #tpu.memory_space<semaphore_mem>>) {add = true}
          %dma_wait3A_230 = arith.constant 0 : i32
          %dma_wait3A_231 = tpu.memref_slice %arg9[%run_scoped3A_118, %dma_wait3A_230] : memref<8x64xi32, #tpu.memory_space<vmem>> -> memref<1x64xi32, #tpu.memory_space<vmem>>
          %dma_wait3A_232 = tpu.memref_squeeze %dma_wait3A_231 : memref<1x64xi32, #tpu.memory_space<vmem>> -> memref<64xi32, #tpu.memory_space<vmem>>
          %dma_wait3A_233 = arith.constant 0 : i32
          %dma_wait3A_234 = arith.constant 0 : i32
          %dma_wait3A_235 = tpu.memref_slice %arg14[%dma_wait3A_233, %dma_wait3A_234] : memref<10112x128xf32, #tpu.memory_space<vmem_shared>> -> memref<10112x128xf32, #tpu.memory_space<vmem_shared>>
          tpu.wait_indirect_dma semaphore(%run_scoped3A_223 : memref<!tpu.dma_semaphore, #tpu.memory_space<semaphore_mem>>) src(%arg11 : memref<64x128xf32, #tpu.memory_space<vmem>>) dst(%dma_wait3A_235 : memref<10112x128xf32, #tpu.memory_space<vmem_shared>>)
          tpu.yield
        }) : () -> ()
        %dma_start3A_119 = arith.constant 5 : i32
        %dma_start3A_120 = arith.constant 0 : i32
        %dma_start3A_121 = tpu.memref_slice %arg7[%dma_start3A_119, %dma_start3A_120] : memref<8x64xi32, #tpu.memory_space<vmem>> -> memref<1x64xi32, #tpu.memory_space<vmem>>
        %dma_start3A_122 = tpu.memref_squeeze %dma_start3A_121 : memref<1x64xi32, #tpu.memory_space<vmem>> -> memref<64xi32, #tpu.memory_space<vmem>>
        %dma_start3A_123 = arith.constant 0 : i32
        %dma_start3A_124 = arith.constant 0 : i32
        %dma_start3A_125 = tpu.memref_slice %arg2[%dma_start3A_123, %dma_start3A_124] : memref<30000x128xf32, #tpu.memory_space<hbm>> -> memref<30000x128xf32, #tpu.memory_space<hbm>>
        tpu.enqueue_indirect_dma source(%dma_start3A_125 : memref<30000x128xf32, #tpu.memory_space<hbm>>) target(%arg11 : memref<64x128xf32, #tpu.memory_space<vmem>>) offsets(%dma_start3A_122 : memref<64xi32, #tpu.memory_space<vmem>>) semaphore(%arg16 : memref<!tpu.dma_semaphore, #tpu.memory_space<semaphore_mem>>)
        %dma_wait3A_126 = arith.constant 0 : i32
        %dma_wait3A_127 = arith.constant 0 : i32
        %dma_wait3A_128 = tpu.memref_slice %arg6[%dma_wait3A_126, %dma_wait3A_127] : memref<8x64xi32, #tpu.memory_space<vmem>> -> memref<1x64xi32, #tpu.memory_space<vmem>>
        %dma_wait3A_129 = tpu.memref_squeeze %dma_wait3A_128 : memref<1x64xi32, #tpu.memory_space<vmem>> -> memref<64xi32, #tpu.memory_space<vmem>>
        %dma_wait3A_130 = arith.constant 0 : i32
        %dma_wait3A_131 = arith.constant 0 : i32
        %dma_wait3A_132 = tpu.memref_slice %arg2[%dma_wait3A_130, %dma_wait3A_131] : memref<30000x128xf32, #tpu.memory_space<hbm>> -> memref<30000x128xf32, #tpu.memory_space<hbm>>
        tpu.wait_indirect_dma semaphore(%arg17 : memref<!tpu.dma_semaphore, #tpu.memory_space<semaphore_mem>>) src(%dma_wait3A_132 : memref<30000x128xf32, #tpu.memory_space<hbm>>) dst(%arg12 : memref<64x128xf32, #tpu.memory_space<vmem>>)
        %run_scoped3A_133 = arith.constant 2 : i32
        "tpu.region"() ({
          %run_scoped3A_223 = tpu.sem_alloc : memref<!tpu.dma_semaphore, #tpu.memory_space<semaphore_mem>>
          %dma_start3A_224 = arith.constant 0 : i32
          %dma_start3A_225 = tpu.memref_slice %arg9[%run_scoped3A_133, %dma_start3A_224] : memref<8x64xi32, #tpu.memory_space<vmem>> -> memref<1x64xi32, #tpu.memory_space<vmem>>
          %dma_start3A_226 = tpu.memref_squeeze %dma_start3A_225 : memref<1x64xi32, #tpu.memory_space<vmem>> -> memref<64xi32, #tpu.memory_space<vmem>>
          %dma_start3A_227 = arith.constant 0 : i32
          %dma_start3A_228 = arith.constant 0 : i32
          %dma_start3A_229 = tpu.memref_slice %arg14[%dma_start3A_227, %dma_start3A_228] : memref<10112x128xf32, #tpu.memory_space<vmem_shared>> -> memref<10112x128xf32, #tpu.memory_space<vmem_shared>>
          tpu.enqueue_indirect_dma source(%arg12 : memref<64x128xf32, #tpu.memory_space<vmem>>) target(%dma_start3A_229 : memref<10112x128xf32, #tpu.memory_space<vmem_shared>>) offsets(%dma_start3A_226 : memref<64xi32, #tpu.memory_space<vmem>>) semaphore(%run_scoped3A_223 : memref<!tpu.dma_semaphore, #tpu.memory_space<semaphore_mem>>) {add = true}
          %dma_wait3A_230 = arith.constant 0 : i32
          %dma_wait3A_231 = tpu.memref_slice %arg9[%run_scoped3A_133, %dma_wait3A_230] : memref<8x64xi32, #tpu.memory_space<vmem>> -> memref<1x64xi32, #tpu.memory_space<vmem>>
          %dma_wait3A_232 = tpu.memref_squeeze %dma_wait3A_231 : memref<1x64xi32, #tpu.memory_space<vmem>> -> memref<64xi32, #tpu.memory_space<vmem>>
          %dma_wait3A_233 = arith.constant 0 : i32
          %dma_wait3A_234 = arith.constant 0 : i32
          %dma_wait3A_235 = tpu.memref_slice %arg14[%dma_wait3A_233, %dma_wait3A_234] : memref<10112x128xf32, #tpu.memory_space<vmem_shared>> -> memref<10112x128xf32, #tpu.memory_space<vmem_shared>>
          tpu.wait_indirect_dma semaphore(%run_scoped3A_223 : memref<!tpu.dma_semaphore, #tpu.memory_space<semaphore_mem>>) src(%arg12 : memref<64x128xf32, #tpu.memory_space<vmem>>) dst(%dma_wait3A_235 : memref<10112x128xf32, #tpu.memory_space<vmem_shared>>)
          tpu.yield
        }) : () -> ()
        %dma_start3A_134 = arith.constant 6 : i32
        %dma_start3A_135 = arith.constant 0 : i32
        %dma_start3A_136 = tpu.memref_slice %arg7[%dma_start3A_134, %dma_start3A_135] : memref<8x64xi32, #tpu.memory_space<vmem>> -> memref<1x64xi32, #tpu.memory_space<vmem>>
        %dma_start3A_137 = tpu.memref_squeeze %dma_start3A_136 : memref<1x64xi32, #tpu.memory_space<vmem>> -> memref<64xi32, #tpu.memory_space<vmem>>
        %dma_start3A_138 = arith.constant 0 : i32
        %dma_start3A_139 = arith.constant 0 : i32
        %dma_start3A_140 = tpu.memref_slice %arg2[%dma_start3A_138, %dma_start3A_139] : memref<30000x128xf32, #tpu.memory_space<hbm>> -> memref<30000x128xf32, #tpu.memory_space<hbm>>
        tpu.enqueue_indirect_dma source(%dma_start3A_140 : memref<30000x128xf32, #tpu.memory_space<hbm>>) target(%arg12 : memref<64x128xf32, #tpu.memory_space<vmem>>) offsets(%dma_start3A_137 : memref<64xi32, #tpu.memory_space<vmem>>) semaphore(%arg17 : memref<!tpu.dma_semaphore, #tpu.memory_space<semaphore_mem>>)
        %dma_wait3A_141 = arith.constant 0 : i32
        %dma_wait3A_142 = arith.constant 0 : i32
        %dma_wait3A_143 = tpu.memref_slice %arg6[%dma_wait3A_141, %dma_wait3A_142] : memref<8x64xi32, #tpu.memory_space<vmem>> -> memref<1x64xi32, #tpu.memory_space<vmem>>
        %dma_wait3A_144 = tpu.memref_squeeze %dma_wait3A_143 : memref<1x64xi32, #tpu.memory_space<vmem>> -> memref<64xi32, #tpu.memory_space<vmem>>
        %dma_wait3A_145 = arith.constant 0 : i32
        %dma_wait3A_146 = arith.constant 0 : i32
        %dma_wait3A_147 = tpu.memref_slice %arg2[%dma_wait3A_145, %dma_wait3A_146] : memref<30000x128xf32, #tpu.memory_space<hbm>> -> memref<30000x128xf32, #tpu.memory_space<hbm>>
        tpu.wait_indirect_dma semaphore(%arg18 : memref<!tpu.dma_semaphore, #tpu.memory_space<semaphore_mem>>) src(%dma_wait3A_147 : memref<30000x128xf32, #tpu.memory_space<hbm>>) dst(%arg13 : memref<64x128xf32, #tpu.memory_space<vmem>>)
        %run_scoped3A_148 = arith.constant 3 : i32
        "tpu.region"() ({
          %run_scoped3A_223 = tpu.sem_alloc : memref<!tpu.dma_semaphore, #tpu.memory_space<semaphore_mem>>
          %dma_start3A_224 = arith.constant 0 : i32
          %dma_start3A_225 = tpu.memref_slice %arg9[%run_scoped3A_148, %dma_start3A_224] : memref<8x64xi32, #tpu.memory_space<vmem>> -> memref<1x64xi32, #tpu.memory_space<vmem>>
          %dma_start3A_226 = tpu.memref_squeeze %dma_start3A_225 : memref<1x64xi32, #tpu.memory_space<vmem>> -> memref<64xi32, #tpu.memory_space<vmem>>
          %dma_start3A_227 = arith.constant 0 : i32
          %dma_start3A_228 = arith.constant 0 : i32
          %dma_start3A_229 = tpu.memref_slice %arg14[%dma_start3A_227, %dma_start3A_228] : memref<10112x128xf32, #tpu.memory_space<vmem_shared>> -> memref<10112x128xf32, #tpu.memory_space<vmem_shared>>
          tpu.enqueue_indirect_dma source(%arg13 : memref<64x128xf32, #tpu.memory_space<vmem>>) target(%dma_start3A_229 : memref<10112x128xf32, #tpu.memory_space<vmem_shared>>) offsets(%dma_start3A_226 : memref<64xi32, #tpu.memory_space<vmem>>) semaphore(%run_scoped3A_223 : memref<!tpu.dma_semaphore, #tpu.memory_space<semaphore_mem>>) {add = true}
          %dma_wait3A_230 = arith.constant 0 : i32
          %dma_wait3A_231 = tpu.memref_slice %arg9[%run_scoped3A_148, %dma_wait3A_230] : memref<8x64xi32, #tpu.memory_space<vmem>> -> memref<1x64xi32, #tpu.memory_space<vmem>>
          %dma_wait3A_232 = tpu.memref_squeeze %dma_wait3A_231 : memref<1x64xi32, #tpu.memory_space<vmem>> -> memref<64xi32, #tpu.memory_space<vmem>>
          %dma_wait3A_233 = arith.constant 0 : i32
          %dma_wait3A_234 = arith.constant 0 : i32
          %dma_wait3A_235 = tpu.memref_slice %arg14[%dma_wait3A_233, %dma_wait3A_234] : memref<10112x128xf32, #tpu.memory_space<vmem_shared>> -> memref<10112x128xf32, #tpu.memory_space<vmem_shared>>
          tpu.wait_indirect_dma semaphore(%run_scoped3A_223 : memref<!tpu.dma_semaphore, #tpu.memory_space<semaphore_mem>>) src(%arg13 : memref<64x128xf32, #tpu.memory_space<vmem>>) dst(%dma_wait3A_235 : memref<10112x128xf32, #tpu.memory_space<vmem_shared>>)
          tpu.yield
        }) : () -> ()
        %dma_start3A_149 = arith.constant 7 : i32
        %dma_start3A_150 = arith.constant 0 : i32
        %dma_start3A_151 = tpu.memref_slice %arg7[%dma_start3A_149, %dma_start3A_150] : memref<8x64xi32, #tpu.memory_space<vmem>> -> memref<1x64xi32, #tpu.memory_space<vmem>>
        %dma_start3A_152 = tpu.memref_squeeze %dma_start3A_151 : memref<1x64xi32, #tpu.memory_space<vmem>> -> memref<64xi32, #tpu.memory_space<vmem>>
        %dma_start3A_153 = arith.constant 0 : i32
        %dma_start3A_154 = arith.constant 0 : i32
        %dma_start3A_155 = tpu.memref_slice %arg2[%dma_start3A_153, %dma_start3A_154] : memref<30000x128xf32, #tpu.memory_space<hbm>> -> memref<30000x128xf32, #tpu.memory_space<hbm>>
        tpu.enqueue_indirect_dma source(%dma_start3A_155 : memref<30000x128xf32, #tpu.memory_space<hbm>>) target(%arg13 : memref<64x128xf32, #tpu.memory_space<vmem>>) offsets(%dma_start3A_152 : memref<64xi32, #tpu.memory_space<vmem>>) semaphore(%arg18 : memref<!tpu.dma_semaphore, #tpu.memory_space<semaphore_mem>>)
        %dma_wait3A_156 = arith.constant 0 : i32
        %dma_wait3A_157 = arith.constant 0 : i32
        %dma_wait3A_158 = tpu.memref_slice %arg6[%dma_wait3A_156, %dma_wait3A_157] : memref<8x64xi32, #tpu.memory_space<vmem>> -> memref<1x64xi32, #tpu.memory_space<vmem>>
        %dma_wait3A_159 = tpu.memref_squeeze %dma_wait3A_158 : memref<1x64xi32, #tpu.memory_space<vmem>> -> memref<64xi32, #tpu.memory_space<vmem>>
        %dma_wait3A_160 = arith.constant 0 : i32
        %dma_wait3A_161 = arith.constant 0 : i32
        %dma_wait3A_162 = tpu.memref_slice %arg2[%dma_wait3A_160, %dma_wait3A_161] : memref<30000x128xf32, #tpu.memory_space<hbm>> -> memref<30000x128xf32, #tpu.memory_space<hbm>>
        tpu.wait_indirect_dma semaphore(%arg15 : memref<!tpu.dma_semaphore, #tpu.memory_space<semaphore_mem>>) src(%dma_wait3A_162 : memref<30000x128xf32, #tpu.memory_space<hbm>>) dst(%arg10 : memref<64x128xf32, #tpu.memory_space<vmem>>)
        %run_scoped3A_163 = arith.constant 4 : i32
        "tpu.region"() ({
          %run_scoped3A_223 = tpu.sem_alloc : memref<!tpu.dma_semaphore, #tpu.memory_space<semaphore_mem>>
          %dma_start3A_224 = arith.constant 0 : i32
          %dma_start3A_225 = tpu.memref_slice %arg9[%run_scoped3A_163, %dma_start3A_224] : memref<8x64xi32, #tpu.memory_space<vmem>> -> memref<1x64xi32, #tpu.memory_space<vmem>>
          %dma_start3A_226 = tpu.memref_squeeze %dma_start3A_225 : memref<1x64xi32, #tpu.memory_space<vmem>> -> memref<64xi32, #tpu.memory_space<vmem>>
          %dma_start3A_227 = arith.constant 0 : i32
          %dma_start3A_228 = arith.constant 0 : i32
          %dma_start3A_229 = tpu.memref_slice %arg14[%dma_start3A_227, %dma_start3A_228] : memref<10112x128xf32, #tpu.memory_space<vmem_shared>> -> memref<10112x128xf32, #tpu.memory_space<vmem_shared>>
          tpu.enqueue_indirect_dma source(%arg10 : memref<64x128xf32, #tpu.memory_space<vmem>>) target(%dma_start3A_229 : memref<10112x128xf32, #tpu.memory_space<vmem_shared>>) offsets(%dma_start3A_226 : memref<64xi32, #tpu.memory_space<vmem>>) semaphore(%run_scoped3A_223 : memref<!tpu.dma_semaphore, #tpu.memory_space<semaphore_mem>>) {add = true}
          %dma_wait3A_230 = arith.constant 0 : i32
          %dma_wait3A_231 = tpu.memref_slice %arg9[%run_scoped3A_163, %dma_wait3A_230] : memref<8x64xi32, #tpu.memory_space<vmem>> -> memref<1x64xi32, #tpu.memory_space<vmem>>
          %dma_wait3A_232 = tpu.memref_squeeze %dma_wait3A_231 : memref<1x64xi32, #tpu.memory_space<vmem>> -> memref<64xi32, #tpu.memory_space<vmem>>
          %dma_wait3A_233 = arith.constant 0 : i32
          %dma_wait3A_234 = arith.constant 0 : i32
          %dma_wait3A_235 = tpu.memref_slice %arg14[%dma_wait3A_233, %dma_wait3A_234] : memref<10112x128xf32, #tpu.memory_space<vmem_shared>> -> memref<10112x128xf32, #tpu.memory_space<vmem_shared>>
          tpu.wait_indirect_dma semaphore(%run_scoped3A_223 : memref<!tpu.dma_semaphore, #tpu.memory_space<semaphore_mem>>) src(%arg10 : memref<64x128xf32, #tpu.memory_space<vmem>>) dst(%dma_wait3A_235 : memref<10112x128xf32, #tpu.memory_space<vmem_shared>>)
          tpu.yield
        }) : () -> ()
        %add3A_164 = arith.constant 1 : i32
        %add3A_165 = arith.addi %scan3A_79, %add3A_164 : i32
        %lt3A_166 = arith.constant 19 : i32
        %lt3A_167 = arith.cmpi slt, %add3A_165, %lt3A_166 : i32
        %convert_element_type3A_168 = arith.extui %lt3A_167 : i1 to i32
        %cond3A_169 = arith.constant 0 : i32
        %cond3A_170 = arith.cmpi ne, %convert_element_type3A_168, %cond3A_169 : i32
        scf.if %cond3A_170 {
          %dma_start3A_223 = arith.constant 0 : i32
          %dma_start3A_224 = arith.constant 0 : i32
          %dma_start3A_225 = tpu.memref_slice %arg6[%dma_start3A_223, %dma_start3A_224] : memref<8x64xi32, #tpu.memory_space<vmem>> -> memref<1x64xi32, #tpu.memory_space<vmem>>
          %dma_start3A_226 = tpu.memref_squeeze %dma_start3A_225 : memref<1x64xi32, #tpu.memory_space<vmem>> -> memref<64xi32, #tpu.memory_space<vmem>>
          %dma_start3A_227 = arith.constant 0 : i32
          %dma_start3A_228 = arith.constant 0 : i32
          %dma_start3A_229 = tpu.memref_slice %arg2[%dma_start3A_227, %dma_start3A_228] : memref<30000x128xf32, #tpu.memory_space<hbm>> -> memref<30000x128xf32, #tpu.memory_space<hbm>>
          tpu.enqueue_indirect_dma source(%dma_start3A_229 : memref<30000x128xf32, #tpu.memory_space<hbm>>) target(%arg10 : memref<64x128xf32, #tpu.memory_space<vmem>>) offsets(%dma_start3A_226 : memref<64xi32, #tpu.memory_space<vmem>>) semaphore(%arg15 : memref<!tpu.dma_semaphore, #tpu.memory_space<semaphore_mem>>)
        } else {
        }
        %dma_wait3A_171 = arith.constant 0 : i32
        %dma_wait3A_172 = arith.constant 0 : i32
        %dma_wait3A_173 = tpu.memref_slice %arg6[%dma_wait3A_171, %dma_wait3A_172] : memref<8x64xi32, #tpu.memory_space<vmem>> -> memref<1x64xi32, #tpu.memory_space<vmem>>
        %dma_wait3A_174 = tpu.memref_squeeze %dma_wait3A_173 : memref<1x64xi32, #tpu.memory_space<vmem>> -> memref<64xi32, #tpu.memory_space<vmem>>
        %dma_wait3A_175 = arith.constant 0 : i32
        %dma_wait3A_176 = arith.constant 0 : i32
        %dma_wait3A_177 = tpu.memref_slice %arg2[%dma_wait3A_175, %dma_wait3A_176] : memref<30000x128xf32, #tpu.memory_space<hbm>> -> memref<30000x128xf32, #tpu.memory_space<hbm>>
        tpu.wait_indirect_dma semaphore(%arg16 : memref<!tpu.dma_semaphore, #tpu.memory_space<semaphore_mem>>) src(%dma_wait3A_177 : memref<30000x128xf32, #tpu.memory_space<hbm>>) dst(%arg11 : memref<64x128xf32, #tpu.memory_space<vmem>>)
        %run_scoped3A_178 = arith.constant 5 : i32
        "tpu.region"() ({
          %run_scoped3A_223 = tpu.sem_alloc : memref<!tpu.dma_semaphore, #tpu.memory_space<semaphore_mem>>
          %dma_start3A_224 = arith.constant 0 : i32
          %dma_start3A_225 = tpu.memref_slice %arg9[%run_scoped3A_178, %dma_start3A_224] : memref<8x64xi32, #tpu.memory_space<vmem>> -> memref<1x64xi32, #tpu.memory_space<vmem>>
          %dma_start3A_226 = tpu.memref_squeeze %dma_start3A_225 : memref<1x64xi32, #tpu.memory_space<vmem>> -> memref<64xi32, #tpu.memory_space<vmem>>
          %dma_start3A_227 = arith.constant 0 : i32
          %dma_start3A_228 = arith.constant 0 : i32
          %dma_start3A_229 = tpu.memref_slice %arg14[%dma_start3A_227, %dma_start3A_228] : memref<10112x128xf32, #tpu.memory_space<vmem_shared>> -> memref<10112x128xf32, #tpu.memory_space<vmem_shared>>
          tpu.enqueue_indirect_dma source(%arg11 : memref<64x128xf32, #tpu.memory_space<vmem>>) target(%dma_start3A_229 : memref<10112x128xf32, #tpu.memory_space<vmem_shared>>) offsets(%dma_start3A_226 : memref<64xi32, #tpu.memory_space<vmem>>) semaphore(%run_scoped3A_223 : memref<!tpu.dma_semaphore, #tpu.memory_space<semaphore_mem>>) {add = true}
          %dma_wait3A_230 = arith.constant 0 : i32
          %dma_wait3A_231 = tpu.memref_slice %arg9[%run_scoped3A_178, %dma_wait3A_230] : memref<8x64xi32, #tpu.memory_space<vmem>> -> memref<1x64xi32, #tpu.memory_space<vmem>>
          %dma_wait3A_232 = tpu.memref_squeeze %dma_wait3A_231 : memref<1x64xi32, #tpu.memory_space<vmem>> -> memref<64xi32, #tpu.memory_space<vmem>>
          %dma_wait3A_233 = arith.constant 0 : i32
          %dma_wait3A_234 = arith.constant 0 : i32
          %dma_wait3A_235 = tpu.memref_slice %arg14[%dma_wait3A_233, %dma_wait3A_234] : memref<10112x128xf32, #tpu.memory_space<vmem_shared>> -> memref<10112x128xf32, #tpu.memory_space<vmem_shared>>
          tpu.wait_indirect_dma semaphore(%run_scoped3A_223 : memref<!tpu.dma_semaphore, #tpu.memory_space<semaphore_mem>>) src(%arg11 : memref<64x128xf32, #tpu.memory_space<vmem>>) dst(%dma_wait3A_235 : memref<10112x128xf32, #tpu.memory_space<vmem_shared>>)
          tpu.yield
        }) : () -> ()
        %add3A_179 = arith.constant 1 : i32
        %add3A_180 = arith.addi %scan3A_79, %add3A_179 : i32
        %lt3A_181 = arith.constant 19 : i32
        %lt3A_182 = arith.cmpi slt, %add3A_180, %lt3A_181 : i32
        %convert_element_type3A_183 = arith.extui %lt3A_182 : i1 to i32
        %cond3A_184 = arith.constant 0 : i32
        %cond3A_185 = arith.cmpi ne, %convert_element_type3A_183, %cond3A_184 : i32
        scf.if %cond3A_185 {
          %dma_start3A_223 = arith.constant 1 : i32
          %dma_start3A_224 = arith.constant 0 : i32
          %dma_start3A_225 = tpu.memref_slice %arg6[%dma_start3A_223, %dma_start3A_224] : memref<8x64xi32, #tpu.memory_space<vmem>> -> memref<1x64xi32, #tpu.memory_space<vmem>>
          %dma_start3A_226 = tpu.memref_squeeze %dma_start3A_225 : memref<1x64xi32, #tpu.memory_space<vmem>> -> memref<64xi32, #tpu.memory_space<vmem>>
          %dma_start3A_227 = arith.constant 0 : i32
          %dma_start3A_228 = arith.constant 0 : i32
          %dma_start3A_229 = tpu.memref_slice %arg2[%dma_start3A_227, %dma_start3A_228] : memref<30000x128xf32, #tpu.memory_space<hbm>> -> memref<30000x128xf32, #tpu.memory_space<hbm>>
          tpu.enqueue_indirect_dma source(%dma_start3A_229 : memref<30000x128xf32, #tpu.memory_space<hbm>>) target(%arg11 : memref<64x128xf32, #tpu.memory_space<vmem>>) offsets(%dma_start3A_226 : memref<64xi32, #tpu.memory_space<vmem>>) semaphore(%arg16 : memref<!tpu.dma_semaphore, #tpu.memory_space<semaphore_mem>>)
        } else {
        }
        %dma_wait3A_186 = arith.constant 0 : i32
        %dma_wait3A_187 = arith.constant 0 : i32
        %dma_wait3A_188 = tpu.memref_slice %arg6[%dma_wait3A_186, %dma_wait3A_187] : memref<8x64xi32, #tpu.memory_space<vmem>> -> memref<1x64xi32, #tpu.memory_space<vmem>>
        %dma_wait3A_189 = tpu.memref_squeeze %dma_wait3A_188 : memref<1x64xi32, #tpu.memory_space<vmem>> -> memref<64xi32, #tpu.memory_space<vmem>>
        %dma_wait3A_190 = arith.constant 0 : i32
        %dma_wait3A_191 = arith.constant 0 : i32
        %dma_wait3A_192 = tpu.memref_slice %arg2[%dma_wait3A_190, %dma_wait3A_191] : memref<30000x128xf32, #tpu.memory_space<hbm>> -> memref<30000x128xf32, #tpu.memory_space<hbm>>
        tpu.wait_indirect_dma semaphore(%arg17 : memref<!tpu.dma_semaphore, #tpu.memory_space<semaphore_mem>>) src(%dma_wait3A_192 : memref<30000x128xf32, #tpu.memory_space<hbm>>) dst(%arg12 : memref<64x128xf32, #tpu.memory_space<vmem>>)
        %run_scoped3A_193 = arith.constant 6 : i32
        "tpu.region"() ({
          %run_scoped3A_223 = tpu.sem_alloc : memref<!tpu.dma_semaphore, #tpu.memory_space<semaphore_mem>>
          %dma_start3A_224 = arith.constant 0 : i32
          %dma_start3A_225 = tpu.memref_slice %arg9[%run_scoped3A_193, %dma_start3A_224] : memref<8x64xi32, #tpu.memory_space<vmem>> -> memref<1x64xi32, #tpu.memory_space<vmem>>
          %dma_start3A_226 = tpu.memref_squeeze %dma_start3A_225 : memref<1x64xi32, #tpu.memory_space<vmem>> -> memref<64xi32, #tpu.memory_space<vmem>>
          %dma_start3A_227 = arith.constant 0 : i32
          %dma_start3A_228 = arith.constant 0 : i32
          %dma_start3A_229 = tpu.memref_slice %arg14[%dma_start3A_227, %dma_start3A_228] : memref<10112x128xf32, #tpu.memory_space<vmem_shared>> -> memref<10112x128xf32, #tpu.memory_space<vmem_shared>>
          tpu.enqueue_indirect_dma source(%arg12 : memref<64x128xf32, #tpu.memory_space<vmem>>) target(%dma_start3A_229 : memref<10112x128xf32, #tpu.memory_space<vmem_shared>>) offsets(%dma_start3A_226 : memref<64xi32, #tpu.memory_space<vmem>>) semaphore(%run_scoped3A_223 : memref<!tpu.dma_semaphore, #tpu.memory_space<semaphore_mem>>) {add = true}
          %dma_wait3A_230 = arith.constant 0 : i32
          %dma_wait3A_231 = tpu.memref_slice %arg9[%run_scoped3A_193, %dma_wait3A_230] : memref<8x64xi32, #tpu.memory_space<vmem>> -> memref<1x64xi32, #tpu.memory_space<vmem>>
          %dma_wait3A_232 = tpu.memref_squeeze %dma_wait3A_231 : memref<1x64xi32, #tpu.memory_space<vmem>> -> memref<64xi32, #tpu.memory_space<vmem>>
          %dma_wait3A_233 = arith.constant 0 : i32
          %dma_wait3A_234 = arith.constant 0 : i32
          %dma_wait3A_235 = tpu.memref_slice %arg14[%dma_wait3A_233, %dma_wait3A_234] : memref<10112x128xf32, #tpu.memory_space<vmem_shared>> -> memref<10112x128xf32, #tpu.memory_space<vmem_shared>>
          tpu.wait_indirect_dma semaphore(%run_scoped3A_223 : memref<!tpu.dma_semaphore, #tpu.memory_space<semaphore_mem>>) src(%arg12 : memref<64x128xf32, #tpu.memory_space<vmem>>) dst(%dma_wait3A_235 : memref<10112x128xf32, #tpu.memory_space<vmem_shared>>)
          tpu.yield
        }) : () -> ()
        %add3A_194 = arith.constant 1 : i32
        %add3A_195 = arith.addi %scan3A_79, %add3A_194 : i32
        %lt3A_196 = arith.constant 19 : i32
        %lt3A_197 = arith.cmpi slt, %add3A_195, %lt3A_196 : i32
        %convert_element_type3A_198 = arith.extui %lt3A_197 : i1 to i32
        %cond3A_199 = arith.constant 0 : i32
        %cond3A_200 = arith.cmpi ne, %convert_element_type3A_198, %cond3A_199 : i32
        scf.if %cond3A_200 {
          %dma_start3A_223 = arith.constant 2 : i32
          %dma_start3A_224 = arith.constant 0 : i32
          %dma_start3A_225 = tpu.memref_slice %arg6[%dma_start3A_223, %dma_start3A_224] : memref<8x64xi32, #tpu.memory_space<vmem>> -> memref<1x64xi32, #tpu.memory_space<vmem>>
          %dma_start3A_226 = tpu.memref_squeeze %dma_start3A_225 : memref<1x64xi32, #tpu.memory_space<vmem>> -> memref<64xi32, #tpu.memory_space<vmem>>
          %dma_start3A_227 = arith.constant 0 : i32
          %dma_start3A_228 = arith.constant 0 : i32
          %dma_start3A_229 = tpu.memref_slice %arg2[%dma_start3A_227, %dma_start3A_228] : memref<30000x128xf32, #tpu.memory_space<hbm>> -> memref<30000x128xf32, #tpu.memory_space<hbm>>
          tpu.enqueue_indirect_dma source(%dma_start3A_229 : memref<30000x128xf32, #tpu.memory_space<hbm>>) target(%arg12 : memref<64x128xf32, #tpu.memory_space<vmem>>) offsets(%dma_start3A_226 : memref<64xi32, #tpu.memory_space<vmem>>) semaphore(%arg17 : memref<!tpu.dma_semaphore, #tpu.memory_space<semaphore_mem>>)
        } else {
        }
        %dma_wait3A_201 = arith.constant 0 : i32
        %dma_wait3A_202 = arith.constant 0 : i32
        %dma_wait3A_203 = tpu.memref_slice %arg6[%dma_wait3A_201, %dma_wait3A_202] : memref<8x64xi32, #tpu.memory_space<vmem>> -> memref<1x64xi32, #tpu.memory_space<vmem>>
        %dma_wait3A_204 = tpu.memref_squeeze %dma_wait3A_203 : memref<1x64xi32, #tpu.memory_space<vmem>> -> memref<64xi32, #tpu.memory_space<vmem>>
        %dma_wait3A_205 = arith.constant 0 : i32
        %dma_wait3A_206 = arith.constant 0 : i32
        %dma_wait3A_207 = tpu.memref_slice %arg2[%dma_wait3A_205, %dma_wait3A_206] : memref<30000x128xf32, #tpu.memory_space<hbm>> -> memref<30000x128xf32, #tpu.memory_space<hbm>>
        tpu.wait_indirect_dma semaphore(%arg18 : memref<!tpu.dma_semaphore, #tpu.memory_space<semaphore_mem>>) src(%dma_wait3A_207 : memref<30000x128xf32, #tpu.memory_space<hbm>>) dst(%arg13 : memref<64x128xf32, #tpu.memory_space<vmem>>)
        %run_scoped3A_208 = arith.constant 7 : i32
        "tpu.region"() ({
          %run_scoped3A_223 = tpu.sem_alloc : memref<!tpu.dma_semaphore, #tpu.memory_space<semaphore_mem>>
          %dma_start3A_224 = arith.constant 0 : i32
          %dma_start3A_225 = tpu.memref_slice %arg9[%run_scoped3A_208, %dma_start3A_224] : memref<8x64xi32, #tpu.memory_space<vmem>> -> memref<1x64xi32, #tpu.memory_space<vmem>>
          %dma_start3A_226 = tpu.memref_squeeze %dma_start3A_225 : memref<1x64xi32, #tpu.memory_space<vmem>> -> memref<64xi32, #tpu.memory_space<vmem>>
          %dma_start3A_227 = arith.constant 0 : i32
          %dma_start3A_228 = arith.constant 0 : i32
          %dma_start3A_229 = tpu.memref_slice %arg14[%dma_start3A_227, %dma_start3A_228] : memref<10112x128xf32, #tpu.memory_space<vmem_shared>> -> memref<10112x128xf32, #tpu.memory_space<vmem_shared>>
          tpu.enqueue_indirect_dma source(%arg13 : memref<64x128xf32, #tpu.memory_space<vmem>>) target(%dma_start3A_229 : memref<10112x128xf32, #tpu.memory_space<vmem_shared>>) offsets(%dma_start3A_226 : memref<64xi32, #tpu.memory_space<vmem>>) semaphore(%run_scoped3A_223 : memref<!tpu.dma_semaphore, #tpu.memory_space<semaphore_mem>>) {add = true}
          %dma_wait3A_230 = arith.constant 0 : i32
          %dma_wait3A_231 = tpu.memref_slice %arg9[%run_scoped3A_208, %dma_wait3A_230] : memref<8x64xi32, #tpu.memory_space<vmem>> -> memref<1x64xi32, #tpu.memory_space<vmem>>
          %dma_wait3A_232 = tpu.memref_squeeze %dma_wait3A_231 : memref<1x64xi32, #tpu.memory_space<vmem>> -> memref<64xi32, #tpu.memory_space<vmem>>
          %dma_wait3A_233 = arith.constant 0 : i32
          %dma_wait3A_234 = arith.constant 0 : i32
          %dma_wait3A_235 = tpu.memref_slice %arg14[%dma_wait3A_233, %dma_wait3A_234] : memref<10112x128xf32, #tpu.memory_space<vmem_shared>> -> memref<10112x128xf32, #tpu.memory_space<vmem_shared>>
          tpu.wait_indirect_dma semaphore(%run_scoped3A_223 : memref<!tpu.dma_semaphore, #tpu.memory_space<semaphore_mem>>) src(%arg13 : memref<64x128xf32, #tpu.memory_space<vmem>>) dst(%dma_wait3A_235 : memref<10112x128xf32, #tpu.memory_space<vmem_shared>>)
          tpu.yield
        }) : () -> ()
        %add3A_209 = arith.constant 1 : i32
        %add3A_210 = arith.addi %scan3A_79, %add3A_209 : i32
        %lt3A_211 = arith.constant 19 : i32
        %lt3A_212 = arith.cmpi slt, %add3A_210, %lt3A_211 : i32
        %convert_element_type3A_213 = arith.extui %lt3A_212 : i1 to i32
        %cond3A_214 = arith.constant 0 : i32
        %cond3A_215 = arith.cmpi ne, %convert_element_type3A_213, %cond3A_214 : i32
        scf.if %cond3A_215 {
          %dma_start3A_223 = arith.constant 3 : i32
          %dma_start3A_224 = arith.constant 0 : i32
          %dma_start3A_225 = tpu.memref_slice %arg6[%dma_start3A_223, %dma_start3A_224] : memref<8x64xi32, #tpu.memory_space<vmem>> -> memref<1x64xi32, #tpu.memory_space<vmem>>
          %dma_start3A_226 = tpu.memref_squeeze %dma_start3A_225 : memref<1x64xi32, #tpu.memory_space<vmem>> -> memref<64xi32, #tpu.memory_space<vmem>>
          %dma_start3A_227 = arith.constant 0 : i32
          %dma_start3A_228 = arith.constant 0 : i32
          %dma_start3A_229 = tpu.memref_slice %arg2[%dma_start3A_227, %dma_start3A_228] : memref<30000x128xf32, #tpu.memory_space<hbm>> -> memref<30000x128xf32, #tpu.memory_space<hbm>>
          tpu.enqueue_indirect_dma source(%dma_start3A_229 : memref<30000x128xf32, #tpu.memory_space<hbm>>) target(%arg13 : memref<64x128xf32, #tpu.memory_space<vmem>>) offsets(%dma_start3A_226 : memref<64xi32, #tpu.memory_space<vmem>>) semaphore(%arg18 : memref<!tpu.dma_semaphore, #tpu.memory_space<semaphore_mem>>)
        } else {
        }
        %add3A_216 = arith.constant 2 : i32
        %add3A_217 = arith.addi %scan3A_79, %add3A_216 : i32
        %lt3A_218 = arith.constant 19 : i32
        %lt3A_219 = arith.cmpi slt, %add3A_217, %lt3A_218 : i32
        %convert_element_type3A_220 = arith.extui %lt3A_219 : i1 to i32
        %cond3A_221 = arith.constant 0 : i32
        %cond3A_222 = arith.cmpi ne, %convert_element_type3A_220, %cond3A_221 : i32
        scf.if %cond3A_222 {
          %add3A_223 = arith.constant 2 : i32
          %add3A_224 = arith.addi %scan3A_79, %add3A_223 : i32
          %mul3A_225 = arith.constant 8 : i32
          %mul3A_226 = arith.muli %add3A_224, %mul3A_225 : i32
          %mul3A_227 = arith.constant 8 : i32
          %mul3A_228 = arith.muli %add3A_224, %mul3A_227 : i32
          %dma_start3A_229 = arith.constant 0 : i32
          %dma_start3A_230 = tpu.memref_slice %arg3[%add3A, %mul3A_226, %dma_start3A_229] : memref<32x152x64xi32, #tpu.memory_space<hbm>> -> memref<1x8x64xi32, #tpu.memory_space<hbm>>
          %dma_start3A_231 = tpu.memref_squeeze %dma_start3A_230 : memref<1x8x64xi32, #tpu.memory_space<hbm>> -> memref<8x64xi32, #tpu.memory_space<hbm>>
          %dma_start3A_232 = arith.constant 0 : i32
          %dma_start3A_233 = tpu.memref_slice %arg3[%add3A, %mul3A_226, %dma_start3A_232] : memref<32x152x64xi32, #tpu.memory_space<hbm>> -> memref<1x8x64xi32, #tpu.memory_space<hbm>>
          %dma_start3A_234 = tpu.memref_squeeze %dma_start3A_233 : memref<1x8x64xi32, #tpu.memory_space<hbm>> -> memref<8x64xi32, #tpu.memory_space<hbm>>
          tpu.enqueue_dma source(%dma_start3A_234 : memref<8x64xi32, #tpu.memory_space<hbm>>) target(%arg7 : memref<8x64xi32, #tpu.memory_space<vmem>>) target_semaphore(%arg20 : memref<!tpu.dma_semaphore, #tpu.memory_space<semaphore_mem>>)
          %dma_start3A_235 = arith.constant 0 : i32
          %dma_start3A_236 = tpu.memref_slice %arg4[%add3A, %mul3A_228, %dma_start3A_235] : memref<32x152x64xi32, #tpu.memory_space<hbm>> -> memref<1x8x64xi32, #tpu.memory_space<hbm>>
          %dma_start3A_237 = tpu.memref_squeeze %dma_start3A_236 : memref<1x8x64xi32, #tpu.memory_space<hbm>> -> memref<8x64xi32, #tpu.memory_space<hbm>>
          %dma_start3A_238 = arith.constant 0 : i32
          %dma_start3A_239 = tpu.memref_slice %arg4[%add3A, %mul3A_228, %dma_start3A_238] : memref<32x152x64xi32, #tpu.memory_space<hbm>> -> memref<1x8x64xi32, #tpu.memory_space<hbm>>
          %dma_start3A_240 = tpu.memref_squeeze %dma_start3A_239 : memref<1x8x64xi32, #tpu.memory_space<hbm>> -> memref<8x64xi32, #tpu.memory_space<hbm>>
          tpu.enqueue_dma source(%dma_start3A_240 : memref<8x64xi32, #tpu.memory_space<hbm>>) target(%arg9 : memref<8x64xi32, #tpu.memory_space<vmem>>) target_semaphore(%arg22 : memref<!tpu.dma_semaphore, #tpu.memory_space<semaphore_mem>>)
        } else {
        }
      } else {
      }
    }
    %scan3A_77 = arith.constant 19 : i32
    %barrier3A_78 = arith.constant 0 : index
    tpu.barrier barrier_id(%barrier3A_78)
    "tpu.region"() ({
      %run_scoped3A = tpu.sem_alloc : memref<!tpu.dma_semaphore, #tpu.memory_space<semaphore_mem>>
      %dma_start3A_79 = arith.constant 0 : i32
      %dma_start3A_80 = tpu.memref_slice %arg5[%arg0, %mul3A_44, %dma_start3A_79] : memref<2x10112x128xf32, #tpu.memory_space<hbm>> -> memref<1x632x128xf32, #tpu.memory_space<hbm>>
      %dma_start3A_81 = tpu.memref_squeeze %dma_start3A_80 : memref<1x632x128xf32, #tpu.memory_space<hbm>> -> memref<632x128xf32, #tpu.memory_space<hbm>>
      %dma_start3A_82 = arith.constant 0 : i32
      %dma_start3A_83 = tpu.memref_slice %arg14[%mul3A_44, %dma_start3A_82] : memref<10112x128xf32, #tpu.memory_space<vmem_shared>> -> memref<632x128xf32, #tpu.memory_space<vmem_shared>>
      tpu.enqueue_dma source(%dma_start3A_83 : memref<632x128xf32, #tpu.memory_space<vmem_shared>>) target(%dma_start3A_81 : memref<632x128xf32, #tpu.memory_space<hbm>>) target_semaphore(%run_scoped3A : memref<!tpu.dma_semaphore, #tpu.memory_space<semaphore_mem>>)
      %dma_wait3A = arith.constant 0 : i32
      %dma_wait3A_84 = tpu.memref_slice %arg5[%arg0, %mul3A_44, %dma_wait3A] : memref<2x10112x128xf32, #tpu.memory_space<hbm>> -> memref<1x632x128xf32, #tpu.memory_space<hbm>>
      %dma_wait3A_85 = tpu.memref_squeeze %dma_wait3A_84 : memref<1x632x128xf32, #tpu.memory_space<hbm>> -> memref<632x128xf32, #tpu.memory_space<hbm>>
      %dma_wait3A_86 = arith.constant 0 : i32
      %dma_wait3A_87 = tpu.memref_slice %arg14[%mul3A_44, %dma_wait3A_86] : memref<10112x128xf32, #tpu.memory_space<vmem_shared>> -> memref<632x128xf32, #tpu.memory_space<vmem_shared>>
      tpu.wait_dma2 semaphore(%run_scoped3A : memref<!tpu.dma_semaphore, #tpu.memory_space<semaphore_mem>>) src(%dma_wait3A_87 : memref<632x128xf32, #tpu.memory_space<vmem_shared>>) dst(%dma_wait3A_85 : memref<632x128xf32, #tpu.memory_space<hbm>>)
      tpu.yield
    }) : () -> ()
    return
  }
}

module attributes {stable_mosaic.version = 14 : i64} {
  func.func @_tc_matmul_body(%arg0: i32, %arg1: memref<5000x128xf32, #tpu.memory_space<vmem>>, %arg2: memref<3x128x128xf32, #tpu.memory_space<vmem>>, %arg3: memref<3x5000x128xf32, #tpu.memory_space<vmem>>) attributes {dimension_semantics = [#tpu.dimension_semantics<arbitrary>], iteration_bounds = array<i64: 2>, scalar_prefetch = 0 : i64, scratch_operands = 0 : i64, tpu.core_type = #tpu.core_type<tc>, window_params = [{transform_indices = @transform_0, window_bounds = array<i64: 5000, 128>}, {pipeline_mode = #tpu.pipeline_mode<synchronous>, transform_indices = @transform_1, window_bounds = array<i64: 3, 128, 128>}, {transform_indices = @transform_2, window_bounds = array<i64: 3, 5000, 128>}]} {
    %get3A = arith.constant 0 : index
    %get3A_0 = arith.constant 0 : index
    %get3A_1 = vector.load %arg1[%get3A, %get3A_0] : memref<5000x128xf32, #tpu.memory_space<vmem>>, vector<5000x128xf32>
    %get3A_2 = arith.constant 0 : index
    %get3A_3 = arith.constant 0 : index
    %get3A_4 = arith.constant 0 : index
    %get3A_5 = vector.load %arg2[%get3A_2, %get3A_3, %get3A_4] : memref<3x128x128xf32, #tpu.memory_space<vmem>>, vector<1x128x128xf32>
    %get3A_6 = vector.shape_cast %get3A_5 : vector<1x128x128xf32> to vector<128x128xf32>
    %dot_general3A = arith.constant dense<0.000000e+00> : vector<5000x128xf32>
    %dot_general3A_7 = tpu.matmul %get3A_1, %get3A_6, %dot_general3A {dimension_numbers = #tpu.dot_dimension_numbers<[1], [0], [0], [1], [0, 0, 1, 1], [], []>, transpose_lhs_hint = false} : vector<5000x128xf32>, vector<128x128xf32>, vector<5000x128xf32> -> vector<5000x128xf32>
    %swap3A = arith.constant 0 : index
    %swap3A_8 = arith.constant 0 : index
    %swap3A_9 = arith.constant 0 : index
    %swap3A_10 = vector.load %arg3[%swap3A, %swap3A_8, %swap3A_9] : memref<3x5000x128xf32, #tpu.memory_space<vmem>>, vector<1x5000x128xf32>
    %swap3A_11 = vector.shape_cast %swap3A_10 : vector<1x5000x128xf32> to vector<5000x128xf32>
    %swap3A_12 = vector.shape_cast %dot_general3A_7 : vector<5000x128xf32> to vector<1x5000x128xf32>
    tpu.vector_store %arg3[%swap3A, %swap3A_8, %swap3A_9], %swap3A_12 {strides = array<i32>} : memref<3x5000x128xf32, #tpu.memory_space<vmem>>, vector<1x5000x128xf32>,
    %get3A_13 = arith.constant 0 : index
    %get3A_14 = arith.constant 0 : index
    %get3A_15 = vector.load %arg1[%get3A_13, %get3A_14] : memref<5000x128xf32, #tpu.memory_space<vmem>>, vector<5000x128xf32>
    %get3A_16 = arith.constant 1 : index
    %get3A_17 = arith.constant 0 : index
    %get3A_18 = arith.constant 0 : index
    %get3A_19 = vector.load %arg2[%get3A_16, %get3A_17, %get3A_18] : memref<3x128x128xf32, #tpu.memory_space<vmem>>, vector<1x128x128xf32>
    %get3A_20 = vector.shape_cast %get3A_19 : vector<1x128x128xf32> to vector<128x128xf32>
    %dot_general3A_21 = arith.constant dense<0.000000e+00> : vector<5000x128xf32>
    %dot_general3A_22 = tpu.matmul %get3A_15, %get3A_20, %dot_general3A_21 {dimension_numbers = #tpu.dot_dimension_numbers<[1], [0], [0], [1], [0, 0, 1, 1], [], []>, transpose_lhs_hint = false} : vector<5000x128xf32>, vector<128x128xf32>, vector<5000x128xf32> -> vector<5000x128xf32>
    %swap3A_23 = arith.constant 1 : index
    %swap3A_24 = arith.constant 0 : index
    %swap3A_25 = arith.constant 0 : index
    %swap3A_26 = vector.load %arg3[%swap3A_23, %swap3A_24, %swap3A_25] : memref<3x5000x128xf32, #tpu.memory_space<vmem>>, vector<1x5000x128xf32>
    %swap3A_27 = vector.shape_cast %swap3A_26 : vector<1x5000x128xf32> to vector<5000x128xf32>
    %swap3A_28 = vector.shape_cast %dot_general3A_22 : vector<5000x128xf32> to vector<1x5000x128xf32>
    tpu.vector_store %arg3[%swap3A_23, %swap3A_24, %swap3A_25], %swap3A_28 {strides = array<i32>} : memref<3x5000x128xf32, #tpu.memory_space<vmem>>, vector<1x5000x128xf32>,
    %get3A_29 = arith.constant 0 : index
    %get3A_30 = arith.constant 0 : index
    %get3A_31 = vector.load %arg1[%get3A_29, %get3A_30] : memref<5000x128xf32, #tpu.memory_space<vmem>>, vector<5000x128xf32>
    %get3A_32 = arith.constant 2 : index
    %get3A_33 = arith.constant 0 : index
    %get3A_34 = arith.constant 0 : index
    %get3A_35 = vector.load %arg2[%get3A_32, %get3A_33, %get3A_34] : memref<3x128x128xf32, #tpu.memory_space<vmem>>, vector<1x128x128xf32>
    %get3A_36 = vector.shape_cast %get3A_35 : vector<1x128x128xf32> to vector<128x128xf32>
    %dot_general3A_37 = arith.constant dense<0.000000e+00> : vector<5000x128xf32>
    %dot_general3A_38 = tpu.matmul %get3A_31, %get3A_36, %dot_general3A_37 {dimension_numbers = #tpu.dot_dimension_numbers<[1], [0], [0], [1], [0, 0, 1, 1], [], []>, transpose_lhs_hint = false} : vector<5000x128xf32>, vector<128x128xf32>, vector<5000x128xf32> -> vector<5000x128xf32>
    %swap3A_39 = arith.constant 2 : index
    %swap3A_40 = arith.constant 0 : index
    %swap3A_41 = arith.constant 0 : index
    %swap3A_42 = vector.load %arg3[%swap3A_39, %swap3A_40, %swap3A_41] : memref<3x5000x128xf32, #tpu.memory_space<vmem>>, vector<1x5000x128xf32>
    %swap3A_43 = vector.shape_cast %swap3A_42 : vector<1x5000x128xf32> to vector<5000x128xf32>
    %swap3A_44 = vector.shape_cast %dot_general3A_38 : vector<5000x128xf32> to vector<1x5000x128xf32>
    tpu.vector_store %arg3[%swap3A_39, %swap3A_40, %swap3A_41], %swap3A_44 {strides = array<i32>} : memref<3x5000x128xf32, #tpu.memory_space<vmem>>, vector<1x5000x128xf32>,
    return
  }
  func.func @transform_0(%arg0: i32) -> (i32, i32) {
    %c0_i32 = arith.constant 0 : i32
    %c0_i32_0 = arith.constant 0 : i32
    return %arg0, %c0_i32 : i32, i32
  }
  func.func @transform_1(%arg0: i32) -> (i32, i32, i32) {
    %c0_i32 = arith.constant 0 : i32
    %c0_i32_0 = arith.constant 0 : i32
    %c0_i32_1 = arith.constant 0 : i32
    %c0_i32_2 = arith.constant 0 : i32
    return %c0_i32, %c0_i32_0, %c0_i32_1 : i32, i32, i32
  }
  func.func @transform_2(%arg0: i32) -> (i32, i32, i32) {
    %c0_i32 = arith.constant 0 : i32
    %c0_i32_0 = arith.constant 0 : i32
    %c0_i32_1 = arith.constant 0 : i32
    return %c0_i32, %arg0, %c0_i32_0 : i32, i32, i32
  }
}

</mosaic_0001>

<sc_bundles>
// kernel: kernel.4.cloned.1.call-start
scs
__scs_entry_jumppad:
0x0: {  	(pc) =	sbr.rel $0x88, $3  }
0x1: {  	(tag) =	ssettag $0x0;
	lr =	simm.s32 $0x1  }
0x2: {  	[smem:$0x3F9B] =	sst lr;
	_ =	strace $0xD0000000  }
0x3: {  	_ = 	snop  }
0x4: {  	_ = 	snop  }
0x5: {  	_ = 	snop  }
0x6: {  	_ = 	snop  }
0x7: {  	_ = 	snop  }
__scs_overlays_trampoline_lowered:
0x8: {  	[smem:$0x3FAA] =	sst s0  }
0x9: {  	[smem:$0x3FAB] =	sst s1  }
0xa: {  	[smem:$0x3FAC] =	sst s2  }
0xb: {  	[smem:$0x3FAD] =	sst s3  }
0xc: {  	[smem:$0x3FAE] =	sst s4  }
0xd: {  	[smem:$0x3FAF] =	sst s5  }
0xe: {  	[smem:$0x3FB0] =	sst s6  }
0xf: {  	[smem:$0x3FB1] =	sst s7  }
0x10: {  	[smem:$0x3FB2] =	sst s8  }
0x11: {  	[smem:$0x3FB3] =	sst s9;
	s0 =	simm.s32 @!p0 $0x0  }
0x12: {  	s1 =	sld [smem:$0x3F99];
	s0 =	simm.s32 @p0 $0x1  }
0x13: {  	[smem:$0x3FB4] =	sst s0;
	s0 =	simm.s32 @!p1 $0x0  }
0x14: {  	s2 =	sld [smem:$0x3F98];
	s0 =	simm.s32 @p1 $0x1  }
0x15: {  	[smem:$0x3FB5] =	sst s0;
	s0 =	simm.s32 @!p2 $0x0  }
0x16: {  	s3 =	sld [smem:$0x3FDB];
	s0 =	simm.s32 @p2 $0x1  }
0x17: {  	s4 =	simm.s32 $0x1BF5;
	[smem:$0x3FB7] =	sst s0  }
0x18: {  	s0 =	sld [smem:$0x3F9A];
	_ =	swait.ge [sflag:s4], $0x0  }
0x19: {  	s7 =	sld [smem:$0x3F9B]  }
0x1a: {  	s8 =	sadd.s32 $0xFFFFE003, lr  }
0x1b: {  	s9 =	sadd.s32 $0xFFFFFEF7, lr;
	s5 =	simm.s32 $0xFFFFFFFF;
	p2 =	slt.u32 s8, $0xFFFFF086  }
0x1c: {  	p1 =	slt.u32 s9, $0xF7A;
	s5 =	simm.s32 @!p2 $0x0  }
0x1d: {  	s5 =	simm.s32 @p1 $0x1;
	p0 =	seq.s32 s7, s2  }
0x1e: {  	s7 =	smul.u32 @!p0 $0xF7A, s2;
	p2 =	seq.s32 @!p0 s5, $0x0  }
0x1f: {  	s9 =	smul.u32 $0xF7A, s1;
	s8 =	simm.s32 @!p0 $0x1BF5;
	p2 =	por !p2, p0  }
0x20: {  	[sflag:s8] =	ssyncset.s32 @!p0 $0xFFFFF086;
	s6 =	sadd.s32 @!p0 s3, s7;
	s7 =	simm.s32 @!p0 $0x108  }
0x21: {  	s3 =	sadd.s32 s3, s9;
	s6 =	sadd.s32 @!p0 $0x88, s6;
	s7 =	simm.s32 @p2 $0x1082  }
0x22: {  	[simem:s7], [sflag:s8] =	dma.local @!p0 [hbm:s6], $0xF7A  }
0x23: {  	s9 =	sor.u32 $0xD0000000, s2;
	s6 =	simm.s32 $0x108;
	_ =	swait.ge @!p0 [sflag:s8], $0x0  }
0x24: {  	s3 =	sadd.s32 $0x88, s3;
	s6 =	simm.s32 @!p1 $0x1082;
	[sflag:s4] =	ssyncset.s32 $0xFFFFF086  }
0x25: {  	[simem:s6], [sflag:s4] =	dma.local [hbm:s3], $0xF7A  }
0x26: {  	[smem:$0x3F9B] =	sst s1;
	(tag) =	ssettag s2;
	_ =	strace s9  }
0x27: {  	s1 =	sld [smem:$0x3FAB]  }
0x28: {  	s2 =	sld [smem:$0x3FAC]  }
0x29: {  	s4 =	sld [smem:$0x3FAE]  }
0x2a: {  	p0 =	seq.s32 s5, $0x0;
	s5 =	sld [smem:$0x3FAF]  }
0x2b: {  	s6 =	sld [smem:$0x3FB0]  }
0x2c: {  	s7 =	sld [smem:$0x3FB1]  }
0x2d: {  	s3 =	simm.s32 $0x108;
	s8 =	sld [smem:$0x3FB2]  }
0x2e: {  	s3 =	simm.s32 @!p0 $0x1082;
	s9 =	sld [smem:$0x3FB3]  }
0x2f: {  	lr =	sadd.s32 s0, s3;
	s0 =	sld [smem:$0x3FAA]  }
0x30: {  	s3 =	sld [smem:$0x3FAD]  }
0x31: {  	[smem:$0x3FB6] =	sst s10  }
0x32: {  	s10 =	sld [smem:$0x3FB4];
	_ =	sdelay $0x3  }
0x33: {  	p0 =	seq.s32 s10, $0x1;
	s10 =	sld [smem:$0x3FB6];
	_ =	sdelay $0x3  }
0x34: {  	[smem:$0x3FB6] =	sst s10  }
0x35: {  	s10 =	sld [smem:$0x3FB5];
	_ =	sdelay $0x3  }
0x36: {  	p1 =	seq.s32 s10, $0x1;
	s10 =	sld [smem:$0x3FB6];
	_ =	sdelay $0x3  }
0x37: {  	[smem:$0x3FB6] =	sst s10  }
0x38: {  	s10 =	sld [smem:$0x3FB7]  }
0x39: {  	_ = 	snop;
	(pc) =	sbr.ind lr, $3  }
0x3a: {  	_ = 	snop  }
0x3b: {  	_ = 	snop  }
0x3c: {  	p2 =	seq.s32 s10, $0x1;
	s10 =	sld [smem:$0x3FB6]  }
0x3d: {  	_ =	shalt  }
0x3e: {  	_ =	shalt  }
0x3f: {  	_ =	shalt  }
0x40: {  	_ =	shalt  }
0x41: {  	_ =	shalt  }
0x42: {  	_ =	shalt  }
0x43: {  	_ =	shalt  }
0x44: {  	_ =	shalt  }
0x45: {  	_ =	shalt  }
0x46: {  	_ =	shalt  }
0x47: {  	_ =	shalt  }
0x48: {  	_ =	shalt  }
0x49: {  	_ =	shalt  }
0x4a: {  	_ =	shalt  }
0x4b: {  	_ =	shalt  }
0x4c: {  	_ =	shalt  }
0x4d: {  	_ =	shalt  }
0x4e: {  	_ =	shalt  }
0x4f: {  	_ =	shalt  }
0x50: {  	_ =	shalt  }
0x51: {  	_ =	shalt  }
0x52: {  	_ =	shalt  }
0x53: {  	_ =	shalt  }
0x54: {  	_ =	shalt  }
0x55: {  	_ =	shalt  }
0x56: {  	_ =	shalt  }
0x57: {  	_ =	shalt  }
0x58: {  	_ =	shalt  }
0x59: {  	_ =	shalt  }
0x5a: {  	_ =	shalt  }
0x5b: {  	_ =	shalt  }
0x5c: {  	_ =	shalt  }
0x5d: {  	_ =	shalt  }
0x5e: {  	_ =	shalt  }
0x5f: {  	_ =	shalt  }
0x60: {  	_ =	shalt  }
0x61: {  	_ =	shalt  }
0x62: {  	_ =	shalt  }
0x63: {  	_ =	shalt  }
0x64: {  	_ =	shalt  }
0x65: {  	_ =	shalt  }
0x66: {  	_ =	shalt  }
0x67: {  	_ =	shalt  }
0x68: {  	_ =	shalt  }
0x69: {  	_ =	shalt  }
0x6a: {  	_ =	shalt  }
0x6b: {  	_ =	shalt  }
0x6c: {  	_ =	shalt  }
0x6d: {  	_ =	shalt  }
0x6e: {  	_ =	shalt  }
0x6f: {  	_ =	shalt  }
0x70: {  	_ =	shalt  }
0x71: {  	_ =	shalt  }
0x72: {  	_ =	shalt  }
0x73: {  	_ =	shalt  }
0x74: {  	_ =	shalt  }
0x75: {  	_ =	shalt  }
0x76: {  	_ =	shalt  }
0x77: {  	_ =	shalt  }
0x78: {  	_ =	shalt  }
0x79: {  	_ =	shalt  }
0x7a: {  	_ =	shalt  }
0x7b: {  	_ =	shalt  }
0x7c: {  	_ =	shalt  }
0x7d: {  	_ =	shalt  }
0x7e: {  	_ =	shalt  }
0x7f: {  	_ =	shalt  }
0x80: {  	_ =	shalt  }
0x81: {  	_ =	shalt  }
0x82: {  	_ =	shalt  }
0x83: {  	_ =	shalt  }
0x84: {  	_ =	shalt  }
0x85: {  	_ =	shalt  }
0x86: {  	_ =	shalt  }
0x87: {  	_ =	shalt  }
.Lfunc_end0:
.L_simem_size_0:
called_computation_lowered:
.L_overlay_start_0:
0x88: {  	s2 =	sld [smem:$0x3FD9]  }
0x89: {  	s3 =	sld [smem:$0x3FFE];
	_ =	sdelay $0x1  }
0x8a: {  	s1 =	srdreg.scid  }
0x8b: {  	s0 =	sand.u32 $0x1, s1  }
0x8c: {  	s17 =	sshll.u32 s0, $0xA;
	s2 =	sadd.s32 s3, s2  }
0x8d: {  	s2 =	sadd.s32 s2, s17  }
0x8e: {  	[smem:$0x3FC2] =	sst s2  }
0x8f: {  	_ = 	snop  }
0x90: {  	s2 =	sld [smem:$0x3FD0];
	(tm) =	ssettm $0x1  }
0x91: {  	s18 =	sld [smem:$0x3FFB];
	_ =	sdelay $0x3  }
0x92: {  	_ =	strace s18  }
0x93: {  	s3 =	sld [smem:$0x3FFC];
	_ =	sdelay $0x3  }
0x94: {  	_ =	strace s3  }
0x95: {  	s3 =	sld [smem:$0x3FFD];
	_ =	sdelay $0x3  }
0x96: {  	_ =	strace s3  }
0x97: {  	_ =	strace $0x8FFFFFFF  }
0x98: {  	s19 =	sld [smem:$0x3FDB];
	_ =	sdelay $0x1  }
0x99: {  	s4 =	simm.s32 $_scs_section_size  }
0x9a: {  	s5 =	simm.s32 $_size__tile_overlayer_lowered;
	s6 =	simm.s32 $_tile_overlayer_lowered  }
0x9b: {  	s22 =	simm.s32 $0x1BFF;
	s21 =	sshll.u32 s6, $0x1;
	s3 =	sadd.s32 s4, s19  }
0x9c: {  	s7 =	simm.s32 $0x0;
	s20 =	sshll.u32 s5, $0x1;
	s5 =	sadd.s32 s21, s3  }
0x9d: {  	[timem:s7], [sflag:s22] =	dma.local [hbm:s5], s20  }
0x9e: {  	_ =	swait.ge [sflag:s22], s20  }
0x9f: {  	s4 =	ssub.s32 $0x0, s20;
	[sflag:s22] =	ssyncset.done $0x0  }
0xa0: {  	[sflag:s22] =	ssyncadd.s32 s4;
	_ =	sdelay $0x1  }
0xa1: {  	s23 =	simm.s32 $0x1B8B  }
0xa2: {  	_ =	swait.ge [sflag:s23], $0x1  }
0xa3: {  	[sflag:s23] =	ssyncset.done $0x0  }
0xa4: {  	s25 =	simm.s32 $0x1B8E;
	s24 =	sld [smem:$0x3FFE];
	[sflag:s23] =	ssyncadd.s32 $0xFFFFFFFF  }
0xa5: {  	s26 =	simm.s32 $execute0_lowered;
	[smem:$0x3FD2] =	sst s25  }
0xa6: {  	s5 =	sshll.u32 s26, $0x1;
	_ =	strace $0x80000046;
	[dreg:$0x1] =	wrdreg $0xFFFFFFFF  }
0xa7: {  	s28 =	simm.s32 $_size_execute0_lowered;
	s3 =	sadd.s32 s3, s5;
	[dreg:$0x0] =	wrdreg $0x0  }
0xa8: {  	s5 =	sshll.u32 s28, $0x1;
	[dreg:$0x2] =	wrdreg s3  }
0xa9: {  	[dreg:$0x3] =	wrdreg s5  }
0xaa: {  	[dreg:$0x4] =	wrdreg $0xC0  }
0xab: {  	_ =	task [dreg:s7], $0x5FFFF  }
0xac: {  	[dreg:$0x1] =	wrdreg $0xFFFFFFFF  }
0xad: {  	[dreg:$0x0] =	wrdreg $0x60  }
0xae: {  	[dreg:$0x2] =	wrdreg s24  }
0xaf: {  	[dreg:$0x3] =	wrdreg s2  }
0xb0: {  	[dreg:$0x4] =	wrdreg $0x90000  }
0xb1: {  	[dreg:$0x5] =	wrdreg $0x9  }
0xb2: {  	_ =	task.clear_ibuf [dreg:s7], $0x6FFFF;
	_ =	strace $0x90000046  }
0xb3: {  	s29 =	simm.s32 $0x9;
	_ =	strace $0x80000048  }
0xb4: {  	_ =	swait.ge [sflag:s29], $0x1  }
0xb5: {  	[sflag:s29] =	ssyncadd.s32 $0xFFFFFFFF  }
0xb6: {  	_ =	strace $0x90000048  }
0xb7: {  	_ =	sfence  }
0xb8: {  	s30 =	sld [smem:$0x0];
	_ =	sdelay $0x2  }
0xb9: {  	s31 =	sshll.u32 s1, $0xD;
	s1 =	sshrl.u32 s1, $0x2  }
0xba: {  	s3 =	sand.u32 $0x4000, s31;
	s1 =	sadd.s32 s1, s30  }
0xbb: {  	s0 =	sor.u32 s3, s0;
	s1 =	sshll.u32 s1, $0x11  }
0xbc: {  	s0 =	sor.u32 s1, s0  }
0xbd: {  	s0 =	sadd.s32 $0x8F2B, s0  }
0xbe: {  	[sflag:s0] =	ssyncadd.remote.s32 $0x1  }
0xbf: {  	_ =	sfence.sel $0xFFFF  }
0xc0: {  	[dreg:$0x0] =	wrdreg $0xFFFFFFFF;
	(pc) =	sbr.abs _section_cstart, $3  }
0xc1: {  	[dreg:$0x1] =	wrdreg $0xFFFFFFFF  }
0xc2: {  	_ =	task.clear_ibuf [dreg:s7], $0x2FFFF;
	_ =	strace $0x9FFFFFFF  }
0xc3: {  	(tm) =	ssettm $0x7FFFFFFF  }
tec
execute0_lowered:
.L_overlay_start_1:
0x0: {  	(tag) =	ssettag $0x1  }
0x1: {  	s0 =	rddreg [dreg:$0x0]  }
0x2: {  	s1 =	rddreg [dreg:$0x1]  }
0x3: {  	s2 =	rddreg [dreg:$0x2]  }
0x4: {  	s3 =	srdreg.scid;
	s10 =	stileid.u32;
	s7 =	simm.s32 $0x0  }
0x5: {  	s28 =	simm.s32 $0x3000;
	s29 =	simm.s32 $0x100;
	s5 =	smul.u32 $0x13C00, s10  }
0x6: {  	s30 =	simm.s32 $0x5000;
	s31 =	simm.s32 $0x180;
	s9 =	smul.u32 $0x4F000, s10  }
0x7: {  	s3 =	sand.u32 $0x1, s3;
	[smem:$0x7FF] =	sst s7;
	s17 =	smul.u32 $0x4C00, s10  }
0x8: {  	s4 =	smul.u32 $0x13C000, s3;
	s6 =	sshll.u32 s3, $0x4;
	_ =	strace $0x80000047  }
0x9: {  	s11 =	ssub.s32 $0x2, s3;
	s3 =	smul.u32 $0x4C000, s3;
	s6 =	sor.u32 s10, s6  }
0xa: {  	s8 =	sshrl.u32 s11, $0x1;
	s14 =	sshrl.u32 s9, $0x2;
	s6 =	smul.u32 $0x4C00, s6  }
0xb: {  	s5 =	sadd.s32 s5, s4;
	s7 =	ssub.s32 s11, s8;
	s3 =	sadd.s32 s17, s3  }
0xc: {  	s5 =	sshrl.u32 s5, $0x3;
	s25 =	smax.u32 s7, $0x1;
	s6 =	sshrl.u32 s6, $0x3  }
0xd: {  	s3 =	sadd.s32 $0x800, s3;
	[dreg:$0x13] =	wrdreg s25;
	s12 =	sadd.s32 s1, s6  }
0xe: {  	s5 =	sadd.s32 s5, s0;
	s13 =	sadd.s32 s0, s6;
	[dreg:$0x4] =	wrdreg s12  }
0xf: {  	s3 =	sshrl.u32 s3, $0x3;
	s5 =	sadd.s32 $0x88400, s5;
	[dreg:$0x5] =	wrdreg s13  }
0x10: {  	s6 =	sadd.s32 $0x80, s6;
	s26 =	sadd.s32 s3, s1;
	[dreg:$0x12] =	wrdreg s5  }
0x11: {  	s9 =	simm.s32 $0x1;
	s15 =	sadd.s32 s1, s6;
	[dreg:$0x15] =	wrdreg s26  }
0x12: {  	s4 =	sadd.s32 $0x13000, s0;
	s6 =	sadd.s32 s0, s6;
	[dreg:$0x6] =	wrdreg s15  }
0x13: {  	s11 =	simm.s32 $0x2;
	s0 =	sadd.s32 s3, s0;
	[dreg:$0x8] =	wrdreg s6  }
0x14: {  	s17 =	simm.s32 $0x4;
	s12 =	sadd.s32 s14, s2;
	[dreg:$0x14] =	wrdreg s0  }
0x15: {  	s7 =	simm.s32 $0x7;
	s16 =	sadd.s32 $0x2000, s12;
	[dreg:$0x7] =	wrdreg s12  }
0x16: {  	s25 =	simm.s32 $0x40;
	s8 =	sadd.s32 $0x4000, s12;
	[dreg:$0x9] =	wrdreg s16  }
0x17: {  	s26 =	simm.s32 $0x80;
	s18 =	sadd.s32 $0x6000, s12;
	[dreg:$0xa] =	wrdreg s8  }
0x18: {  	s1 =	simm.s32 $0xC00;
	s19 =	sadd.s32 $0x8000, s12;
	[dreg:$0xb] =	wrdreg s18  }
0x19: {  	s5 =	simm.s32 $0x1000;
	s20 =	sadd.s32 $0xA000, s12;
	[dreg:$0xc] =	wrdreg s19  }
0x1a: {  	s14 =	simm.s32 $0x3;
	s21 =	sadd.s32 $0xC000, s12;
	[dreg:$0xd] =	wrdreg s20  }
0x1b: {  	s3 =	simm.s32 $0x0;
	s22 =	sadd.s32 $0xE000, s12;
	[dreg:$0xe] =	wrdreg s21  }
.Ltmp0:
0x1c: {  	s23 =	sadd.s32 $0x10000, s12;
	[dreg:$0xf] =	wrdreg s22;
	(pc) =	sbr.rel .LBB2_1-.Ltmp0, $4  }
0x1d: {  	s24 =	sadd.s32 $0x12000, s12;
	s0 =	simm.s32 $0x7000;
	[dreg:$0x10] =	wrdreg s23  }
0x1e: {  	s6 =	simm.s32 $0x5;
	s15 =	simm.s32 $0x300;
	[dreg:$0x11] =	wrdreg s24  }
0x1f: {  	s23 =	simm.s32 $0x9;
	s16 =	simm.s32 $0x980;
	s18 =	simm.s32 $0x380  }
0x20: {  	v0 =	vimm.f32 $0.0e+00;
	s19 =	simm.s32 $0xA00;
	s20 =	simm.s32 $0xB00;
	s21 =	simm.s32 $0xB80  }
.LBB2_6:
0x21: {  	_ =	swait.ge [sflag:s17], $0x2000  }
0x22: {  	[sflag:s17] =	ssyncset.done $0x0  }
0x23: {  	[sflag:s17] =	ssyncadd.s32 $0xFFFFE000  }
0x24: {  	[spmem:s2] =	stream.indirect.scatter.add.f32 [tilespmem:s0], [sflag:$0x9], $0x80, s21, s25, $0xb8;
	[tilespmem:$0x1CC00] =	vst v63  }
0x25: {  	_ =	swait.ge [sflag:s23], $0x2000  }
0x26: {  	[sflag:s23] =	ssyncset.done $0x0  }
0x27: {  	[sflag:s23] =	ssyncadd.s32 $0xFFFFE000  }
.LBB2_10:
0x28: {  	s8 =	stileid.u32;
	[bflag:$0x0] =	sbarrier.arrive $0xFFFF  }
0x29: {  	s8 =	sshll.u32 s8, $0x6;
	s12 =	rddreg [dreg:$0x7]  }
0x2a: {  	s13 =	rddreg [dreg:$0x12];
	s8 =	sor.u32 $0x1C09, s8;
	s10 =	sshrl.u32 s12, $0x3  }
0x2b: {  	[hbm:s13], [sflag:s8] =	dma.local [spmem:s10], $0x2780  }
0x2c: {  	_ =	swait.ge [sflag:s23], $0x2780  }
0x2d: {  	s3 =	sadd.s32 $0x1, s3;
	s24 =	rddreg [dreg:$0x13]  }
0x2e: {  	p0 =	sne.s32 s3, s24  }
.Ltmp1:
0x2f: {  	_ = 	snop;
	(pc) =	sbr.rel @!p0 .LBB2_11-.Ltmp1, $3  }
0x30: {  	_ =	sdelay $0x1  }
0x31: {  	[sflag:s23] =	ssyncset.done $0x0  }
0x32: {  	[sflag:s23] =	ssyncadd.s32 $0xFFFFD880  }
.LBB2_1:
0x33: {  	s8 =	simm.s32 $0x0;
	s10 =	simm.s32 $0x200  }
.LBB2_2:
0x34: {  	p0 =	sne.s32 s10, $0x7E00;
	[tilespmem:s8+$0x1070] =	vst v0  }
0x35: {  	[tilespmem:s8+$0x1000] =	vst v0  }
0x36: {  	[tilespmem:s8+$0x1010] =	vst v0  }
.Ltmp2:
0x37: {  	[tilespmem:s8+$0x1020] =	vst v0;
	(pc) =	sbr.rel @p0 .LBB2_2-.Ltmp2, $4  }
0x38: {  	[tilespmem:s8+$0x1030] =	vst v0  }
0x39: {  	[tilespmem:s8+$0x1040] =	vst v0  }
0x3a: {  	[tilespmem:s8+$0x1050] =	vst v0  }
0x3b: {  	[tilespmem:s8+$0x1060] =	vst v0;
	s8 =	sshra.s32 s10, $0x2;
	s10 =	sadd.s32 $0x200, s10  }
0x3c: {  	[tilespmem:s8+$0x1070] =	vst v0  }
0x3d: {  	[tilespmem:s8+$0x1000] =	vst v0  }
0x3e: {  	[tilespmem:s8+$0x1010] =	vst v0  }
0x3f: {  	[tilespmem:s8+$0x1020] =	vst v0  }
0x40: {  	[tilespmem:s8+$0x1030] =	vst v0  }
0x41: {  	[tilespmem:s8+$0x1040] =	vst v0  }
0x42: {  	[tilespmem:s8+$0x1050] =	vst v0  }
0x43: {  	[tilespmem:s8+$0x1060] =	vst v0;
	s22 =	simm.s32 $0x0;
	s13 =	rddreg [dreg:$0x4]  }
0x44: {  	[tilespmem:s22], [sflag:$0x9] =	stream.linear.gather [hbm4b:s13+s22], $0x400, $0x38;
	[tilespmem:$0x1CC00] =	vst v63  }
0x45: {  	_ =	swait.ge [sflag:s23], $0x400  }
0x46: {  	[sflag:s23] =	ssyncset.done $0x0  }
0x47: {  	s10 =	simm.s32 $0x800;
	s24 =	rddreg [dreg:$0x5];
	[sflag:s23] =	ssyncadd.s32 $0xFFFFFC00  }
0x48: {  	[tilespmem:s10], [sflag:$0x9] =	stream.linear.gather [hbm4b:s24+s22], $0x400, $0x38;
	[tilespmem:$0x1CC00] =	vst v63  }
0x49: {  	_ =	swait.ge [sflag:s23], $0x400  }
0x4a: {  	[sflag:s23] =	ssyncset.done $0x0  }
0x4b: {  	[sflag:s23] =	ssyncadd.s32 $0xFFFFFC00  }
0x4c: {  	[tilespmem:s28], [sflag:$0x2] =	stream.indirect.gather [hbm4b:s4+s25], $0x80, s26, s25, $0xb8;
	[tilespmem:$0x1CC00] =	vst v63  }
0x4d: {  	_ = 	snop  }
0x4e: {  	[tilespmem:s30], [sflag:$0x3] =	stream.indirect.gather [hbm4b:s4+s25], $0x80, s29, s25, $0xb8;
	[tilespmem:$0x1CC00] =	vst v63  }
0x4f: {  	_ = 	snop  }
0x50: {  	[tilespmem:s0], [sflag:$0x4] =	stream.indirect.gather [hbm4b:s4+s25], $0x80, s31, s25, $0xb8;
	[tilespmem:$0x1CC00] =	vst v63  }
0x51: {  	s24 =	simm.s32 $0x400;
	s13 =	rddreg [dreg:$0x6]  }
0x52: {  	[tilespmem:s24], [sflag:$0x6] =	stream.linear.gather [hbm4b:s13+s22], $0x400, $0x38;
	[tilespmem:$0x1CC00] =	vst v63  }
0x53: {  	s13 =	rddreg [dreg:$0x8]  }
0x54: {  	[tilespmem:s1], [sflag:$0x8] =	stream.linear.gather [hbm4b:s13+s22], $0x400, $0x38;
	[tilespmem:$0x1CC00] =	vst v63  }
0x55: {  	_ = 	snop  }
0x56: {  	[spmem:s12] =	stream.linear.scatter [tilespmem:s5], [sflag:$0x9], $0x2000, $0x38;
	[tilespmem:$0x1CC00] =	vst v63  }
0x57: {  	_ =	swait.ge [sflag:s23], $0x2000  }
0x58: {  	[sflag:s23] =	ssyncset.done $0x0  }
0x59: {  	s24 =	rddreg [dreg:$0x9];
	[sflag:s23] =	ssyncadd.s32 $0xFFFFE000  }
0x5a: {  	[spmem:s24] =	stream.linear.scatter [tilespmem:s5], [sflag:$0x9], $0x2000, $0x38;
	[tilespmem:$0x1CC00] =	vst v63  }
0x5b: {  	_ =	swait.ge [sflag:s23], $0x2000  }
0x5c: {  	[sflag:s23] =	ssyncset.done $0x0  }
0x5d: {  	s10 =	rddreg [dreg:$0xa];
	[sflag:s23] =	ssyncadd.s32 $0xFFFFE000  }
0x5e: {  	[spmem:s10] =	stream.linear.scatter [tilespmem:s5], [sflag:$0x9], $0x2000, $0x38;
	[tilespmem:$0x1CC00] =	vst v63  }
0x5f: {  	_ =	swait.ge [sflag:s23], $0x2000  }
0x60: {  	[sflag:s23] =	ssyncset.done $0x0  }
0x61: {  	s12 =	rddreg [dreg:$0xb];
	[sflag:s23] =	ssyncadd.s32 $0xFFFFE000  }
0x62: {  	[spmem:s12] =	stream.linear.scatter [tilespmem:s5], [sflag:$0x9], $0x2000, $0x38;
	[tilespmem:$0x1CC00] =	vst v63  }
0x63: {  	_ =	swait.ge [sflag:s23], $0x2000  }
0x64: {  	[sflag:s23] =	ssyncset.done $0x0  }
0x65: {  	s13 =	rddreg [dreg:$0xc];
	[sflag:s23] =	ssyncadd.s32 $0xFFFFE000  }
0x66: {  	[spmem:s13] =	stream.linear.scatter [tilespmem:s5], [sflag:$0x9], $0x2000, $0x38;
	[tilespmem:$0x1CC00] =	vst v63  }
0x67: {  	_ =	swait.ge [sflag:s23], $0x2000  }
0x68: {  	[sflag:s23] =	ssyncset.done $0x0  }
0x69: {  	s24 =	rddreg [dreg:$0xd];
	[sflag:s23] =	ssyncadd.s32 $0xFFFFE000  }
0x6a: {  	[spmem:s24] =	stream.linear.scatter [tilespmem:s5], [sflag:$0x9], $0x2000, $0x38;
	[tilespmem:$0x1CC00] =	vst v63  }
0x6b: {  	_ =	swait.ge [sflag:s23], $0x2000  }
0x6c: {  	[sflag:s23] =	ssyncset.done $0x0  }
0x6d: {  	s10 =	rddreg [dreg:$0xe];
	[sflag:s23] =	ssyncadd.s32 $0xFFFFE000  }
0x6e: {  	[spmem:s10] =	stream.linear.scatter [tilespmem:s5], [sflag:$0x9], $0x2000, $0x38;
	[tilespmem:$0x1CC00] =	vst v63  }
0x6f: {  	_ =	swait.ge [sflag:s23], $0x2000  }
0x70: {  	[sflag:s23] =	ssyncset.done $0x0  }
0x71: {  	s12 =	rddreg [dreg:$0xf];
	[sflag:s23] =	ssyncadd.s32 $0xFFFFE000  }
0x72: {  	[spmem:s12] =	stream.linear.scatter [tilespmem:s5], [sflag:$0x9], $0x2000, $0x38;
	[tilespmem:$0x1CC00] =	vst v63  }
0x73: {  	_ =	swait.ge [sflag:s23], $0x2000  }
0x74: {  	[sflag:s23] =	ssyncset.done $0x0  }
0x75: {  	s13 =	rddreg [dreg:$0x10];
	[sflag:s23] =	ssyncadd.s32 $0xFFFFE000  }
0x76: {  	[spmem:s13] =	stream.linear.scatter [tilespmem:s5], [sflag:$0x9], $0x2000, $0x38;
	[tilespmem:$0x1CC00] =	vst v63  }
0x77: {  	_ =	swait.ge [sflag:s23], $0x2000  }
0x78: {  	[sflag:s23] =	ssyncset.done $0x0  }
0x79: {  	s24 =	rddreg [dreg:$0x11];
	[sflag:s23] =	ssyncadd.s32 $0xFFFFE000  }
0x7a: {  	[spmem:s24] =	stream.linear.scatter [tilespmem:s5], [sflag:$0x9], $0x1C00, $0x38;
	[tilespmem:$0x1CC00] =	vst v63  }
0x7b: {  	_ =	swait.ge [sflag:s23], $0x1C00  }
0x7c: {  	[sflag:s23] =	ssyncset.done $0x0  }
.Ltmp3:
0x7d: {  	[sflag:s23] =	ssyncadd.s32 $0xFFFFE400;
	(pc) =	sbr.rel .LBB2_4-.Ltmp3, $4  }
0x7e: {  	[tilespmem:s5], [sflag:$0x1] =	stream.indirect.gather [hbm4b:s4+s25], $0x80, s22, s25, $0xb8;
	[tilespmem:$0x1CC00] =	vst v63  }
0x7f: {  	[bflag:$0x0] =	sbarrier.arrive $0xFFFF  }
0x80: {  	s10 =	rddreg [dreg:$0x15]  }
0x81: {  	s8 =	rddreg [dreg:$0x14]  }
.LBB2_8:
0x82: {  	_ =	swait.ge [sflag:s6], $0x400  }
0x83: {  	[sflag:s6] =	ssyncset.done $0x0  }
0x84: {  	[sflag:s6] =	ssyncadd.s32 $0xFFFFFC00  }
0x85: {  	_ =	swait.ge [sflag:s7], $0x400  }
0x86: {  	[sflag:s7] =	ssyncset.done $0x0  }
0x87: {  	[sflag:s7] =	ssyncadd.s32 $0xFFFFFC00  }
0x88: {  	_ =	swait.ge [sflag:s9], $0x2000  }
0x89: {  	[sflag:s9] =	ssyncset.done $0x0  }
0x8a: {  	[sflag:s9] =	ssyncadd.s32 $0xFFFFE000  }
0x8b: {  	[spmem:s2] =	stream.indirect.scatter.add.f32 [tilespmem:s5], [sflag:$0x9], $0x80, s1, s25, $0xb8;
	[tilespmem:$0x1CC00] =	vst v63  }
0x8c: {  	_ =	swait.ge [sflag:s23], $0x2000  }
0x8d: {  	[sflag:s23] =	ssyncset.done $0x0  }
0x8e: {  	s12 =	simm.s32 $0x600;
	[sflag:s23] =	ssyncadd.s32 $0xFFFFE000  }
0x8f: {  	[tilespmem:s5], [sflag:$0x1] =	stream.indirect.gather [hbm4b:s4+s25], $0x80, s12, s25, $0xb8;
	[tilespmem:$0x1CC00] =	vst v63  }
0x90: {  	_ =	swait.ge [sflag:s11], $0x2000  }
0x91: {  	[sflag:s11] =	ssyncset.done $0x0  }
0x92: {  	s24 =	simm.s32 $0xC80;
	[sflag:s11] =	ssyncadd.s32 $0xFFFFE000  }
0x93: {  	[spmem:s2] =	stream.indirect.scatter.add.f32 [tilespmem:s28], [sflag:$0x9], $0x80, s24, s25, $0xb8;
	[tilespmem:$0x1CC00] =	vst v63  }
0x94: {  	_ =	swait.ge [sflag:s23], $0x2000  }
0x95: {  	[sflag:s23] =	ssyncset.done $0x0  }
0x96: {  	s13 =	simm.s32 $0x680;
	[sflag:s23] =	ssyncadd.s32 $0xFFFFE000  }
0x97: {  	[tilespmem:s28], [sflag:$0x2] =	stream.indirect.gather [hbm4b:s4+s25], $0x80, s13, s25, $0xb8;
	[tilespmem:$0x1CC00] =	vst v63  }
0x98: {  	_ =	swait.ge [sflag:s14], $0x2000  }
0x99: {  	[sflag:s14] =	ssyncset.done $0x0  }
0x9a: {  	s24 =	simm.s32 $0xD00;
	[sflag:s14] =	ssyncadd.s32 $0xFFFFE000  }
0x9b: {  	[spmem:s2] =	stream.indirect.scatter.add.f32 [tilespmem:s30], [sflag:$0x9], $0x80, s24, s25, $0xb8;
	[tilespmem:$0x1CC00] =	vst v63  }
0x9c: {  	_ =	swait.ge [sflag:s23], $0x2000  }
0x9d: {  	[sflag:s23] =	ssyncset.done $0x0  }
0x9e: {  	s13 =	simm.s32 $0x700;
	[sflag:s23] =	ssyncadd.s32 $0xFFFFE000  }
0x9f: {  	[tilespmem:s30], [sflag:$0x3] =	stream.indirect.gather [hbm4b:s4+s25], $0x80, s13, s25, $0xb8;
	[tilespmem:$0x1CC00] =	vst v63  }
0xa0: {  	_ =	swait.ge [sflag:s17], $0x2000  }
0xa1: {  	[sflag:s17] =	ssyncset.done $0x0  }
0xa2: {  	s24 =	simm.s32 $0xD80;
	[sflag:s17] =	ssyncadd.s32 $0xFFFFE000  }
0xa3: {  	[spmem:s2] =	stream.indirect.scatter.add.f32 [tilespmem:s0], [sflag:$0x9], $0x80, s24, s25, $0xb8;
	[tilespmem:$0x1CC00] =	vst v63  }
0xa4: {  	_ =	swait.ge [sflag:s23], $0x2000  }
0xa5: {  	[sflag:s23] =	ssyncset.done $0x0  }
0xa6: {  	s13 =	simm.s32 $0x780;
	[sflag:s23] =	ssyncadd.s32 $0xFFFFE000  }
0xa7: {  	[tilespmem:s0], [sflag:$0x4] =	stream.indirect.gather [hbm4b:s4+s25], $0x80, s13, s25, $0xb8;
	[tilespmem:$0x1CC00] =	vst v63  }
0xa8: {  	_ =	swait.ge [sflag:s9], $0x2000  }
0xa9: {  	[sflag:s9] =	ssyncset.done $0x0  }
0xaa: {  	s24 =	simm.s32 $0xE00;
	[sflag:s9] =	ssyncadd.s32 $0xFFFFE000  }
0xab: {  	[spmem:s2] =	stream.indirect.scatter.add.f32 [tilespmem:s5], [sflag:$0x9], $0x80, s24, s25, $0xb8;
	[tilespmem:$0x1CC00] =	vst v63  }
0xac: {  	_ =	swait.ge [sflag:s23], $0x2000  }
0xad: {  	[sflag:s23] =	ssyncset.done $0x0  }
0xae: {  	s13 =	simm.s32 $0x0;
	[sflag:s23] =	ssyncadd.s32 $0xFFFFE000  }
0xaf: {  	[tilespmem:s5], [sflag:$0x1] =	stream.indirect.gather [hbm4b:s4+s25], $0x80, s13, s25, $0xb8;
	[tilespmem:$0x1CC00] =	vst v63  }
0xb0: {  	_ =	swait.ge [sflag:s11], $0x2000  }
0xb1: {  	[sflag:s11] =	ssyncset.done $0x0  }
0xb2: {  	s24 =	simm.s32 $0xE80;
	[sflag:s11] =	ssyncadd.s32 $0xFFFFE000  }
0xb3: {  	[spmem:s2] =	stream.indirect.scatter.add.f32 [tilespmem:s28], [sflag:$0x9], $0x80, s24, s25, $0xb8;
	[tilespmem:$0x1CC00] =	vst v63  }
0xb4: {  	_ =	swait.ge [sflag:s23], $0x2000  }
0xb5: {  	[sflag:s23] =	ssyncset.done $0x0  }
0xb6: {  	[sflag:s23] =	ssyncadd.s32 $0xFFFFE000  }
0xb7: {  	[tilespmem:s28], [sflag:$0x2] =	stream.indirect.gather [hbm4b:s4+s25], $0x80, s26, s25, $0xb8;
	[tilespmem:$0x1CC00] =	vst v63  }
0xb8: {  	_ =	swait.ge [sflag:s14], $0x2000  }
0xb9: {  	[sflag:s14] =	ssyncset.done $0x0  }
0xba: {  	s13 =	simm.s32 $0xF00;
	[sflag:s14] =	ssyncadd.s32 $0xFFFFE000  }
0xbb: {  	[spmem:s2] =	stream.indirect.scatter.add.f32 [tilespmem:s30], [sflag:$0x9], $0x80, s13, s25, $0xb8;
	[tilespmem:$0x1CC00] =	vst v63  }
0xbc: {  	_ =	swait.ge [sflag:s23], $0x2000  }
0xbd: {  	[sflag:s23] =	ssyncset.done $0x0  }
0xbe: {  	[sflag:s23] =	ssyncadd.s32 $0xFFFFE000  }
0xbf: {  	[tilespmem:s30], [sflag:$0x3] =	stream.indirect.gather [hbm4b:s4+s25], $0x80, s29, s25, $0xb8;
	[tilespmem:$0x1CC00] =	vst v63  }
0xc0: {  	_ =	swait.ge [sflag:s17], $0x2000  }
0xc1: {  	[sflag:s17] =	ssyncset.done $0x0  }
0xc2: {  	s24 =	simm.s32 $0xF80;
	[sflag:s17] =	ssyncadd.s32 $0xFFFFE000  }
0xc3: {  	[spmem:s2] =	stream.indirect.scatter.add.f32 [tilespmem:s0], [sflag:$0x9], $0x80, s24, s25, $0xb8;
	[tilespmem:$0x1CC00] =	vst v63  }
0xc4: {  	_ =	swait.ge [sflag:s23], $0x2000  }
0xc5: {  	[sflag:s23] =	ssyncset.done $0x0  }
0xc6: {  	p0 =	sgt.u32 s22, $0x10;
	[sflag:s23] =	ssyncadd.s32 $0xFFFFE000  }
0xc7: {  	[tilespmem:s0], [sflag:$0x4] =	stream.indirect.gather [hbm4b:s4+s25], $0x80, s31, s25, $0xb8;
	[tilespmem:$0x1CC00] =	vst v63  }
0xc8: {  	s12 =	simm.s32 @!p0 $0x0;
	s13 =	simm.s32 @!p0 $0x400  }
0xc9: {  	[tilespmem:s13], [sflag:$0x6] =	stream.linear.gather @!p0 [hbm4b:s10+s12], $0x400, $0x38;
	[tilespmem:$0x1CC00] =	vst v63  }
0xca: {  	s13 =	simm.s32 @!p0 $0xC00  }
0xcb: {  	[tilespmem:s13], [sflag:$0x8] =	stream.linear.gather @!p0 [hbm4b:s8+s12], $0x400, $0x38;
	[tilespmem:$0x1CC00] =	vst v63  }
.LBB2_9:
0xcc: {  	s22 =	sadd.s32 $0x1, s22  }
0xcd: {  	p0 =	sne.s32 s22, $0x13  }
.Ltmp4:
0xce: {  	_ = 	snop;
	(pc) =	sbr.rel @!p0 .LBB2_10-.Ltmp4, $2  }
0xcf: {  	_ =	sdelay $0x2  }
0xd0: {  	s8 =	sadd.s32 $0x80, s8;
	s10 =	sadd.s32 $0x80, s10  }
.LBB2_4:
0xd1: {  	s12 =	sand.u32 $0x1, s22  }
0xd2: {  	p0 =	seq.s32 s12, $0x1  }
.Ltmp5:
0xd3: {  	_ = 	snop;
	(pc) =	sbr.rel @p0 .LBB2_8-.Ltmp5, $1  }
0xd4: {  	_ =	sdelay $0x3  }
0xd5: {  	p0 =	seq.s32 s22, $0x12  }
0xd6: {  	s12 =	simm.s32 @!p0 $0x6  }
0xd7: {  	_ =	swait.ge @!p0 [sflag:s12], $0x400  }
0xd8: {  	[sflag:s12] =	ssyncset.done @!p0 $0x0  }
0xd9: {  	[sflag:s12] =	ssyncadd.s32 @!p0 $0xFFFFFC00;
	s12 =	simm.s32 @!p0 $0x8  }
0xda: {  	_ =	swait.ge @!p0 [sflag:s12], $0x400  }
0xdb: {  	[sflag:s12] =	ssyncset.done @!p0 $0x0  }
0xdc: {  	[sflag:s12] =	ssyncadd.s32 @!p0 $0xFFFFFC00  }
0xdd: {  	_ =	swait.ge [sflag:s9], $0x2000  }
0xde: {  	[sflag:s9] =	ssyncset.done $0x0  }
0xdf: {  	s24 =	simm.s32 $0x800;
	[sflag:s9] =	ssyncadd.s32 $0xFFFFE000  }
0xe0: {  	[spmem:s2] =	stream.indirect.scatter.add.f32 [tilespmem:s5], [sflag:$0x9], $0x80, s24, s25, $0xb8;
	[tilespmem:$0x1CC00] =	vst v63  }
0xe1: {  	_ =	swait.ge [sflag:s23], $0x2000  }
0xe2: {  	[sflag:s23] =	ssyncset.done $0x0  }
0xe3: {  	s13 =	simm.s32 $0x200;
	[sflag:s23] =	ssyncadd.s32 $0xFFFFE000  }
0xe4: {  	[tilespmem:s5], [sflag:$0x1] =	stream.indirect.gather [hbm4b:s4+s25], $0x80, s13, s25, $0xb8;
	[tilespmem:$0x1CC00] =	vst v63  }
0xe5: {  	_ =	swait.ge [sflag:s11], $0x2000  }
0xe6: {  	[sflag:s11] =	ssyncset.done $0x0  }
0xe7: {  	s24 =	simm.s32 $0x880;
	[sflag:s11] =	ssyncadd.s32 $0xFFFFE000  }
0xe8: {  	[spmem:s2] =	stream.indirect.scatter.add.f32 [tilespmem:s28], [sflag:$0x9], $0x80, s24, s25, $0xb8;
	[tilespmem:$0x1CC00] =	vst v63  }
0xe9: {  	_ =	swait.ge [sflag:s23], $0x2000  }
0xea: {  	[sflag:s23] =	ssyncset.done $0x0  }
0xeb: {  	s13 =	simm.s32 $0x280;
	[sflag:s23] =	ssyncadd.s32 $0xFFFFE000  }
0xec: {  	[tilespmem:s28], [sflag:$0x2] =	stream.indirect.gather [hbm4b:s4+s25], $0x80, s13, s25, $0xb8;
	[tilespmem:$0x1CC00] =	vst v63  }
0xed: {  	_ =	swait.ge [sflag:s14], $0x2000  }
0xee: {  	[sflag:s14] =	ssyncset.done $0x0  }
0xef: {  	s24 =	simm.s32 $0x900;
	[sflag:s14] =	ssyncadd.s32 $0xFFFFE000  }
0xf0: {  	[spmem:s2] =	stream.indirect.scatter.add.f32 [tilespmem:s30], [sflag:$0x9], $0x80, s24, s25, $0xb8;
	[tilespmem:$0x1CC00] =	vst v63  }
0xf1: {  	_ =	swait.ge [sflag:s23], $0x2000  }
0xf2: {  	[sflag:s23] =	ssyncset.done $0x0  }
0xf3: {  	[sflag:s23] =	ssyncadd.s32 $0xFFFFE000  }
0xf4: {  	[tilespmem:s30], [sflag:$0x3] =	stream.indirect.gather [hbm4b:s4+s25], $0x80, s15, s25, $0xb8;
	[tilespmem:$0x1CC00] =	vst v63  }
0xf5: {  	_ =	swait.ge [sflag:s17], $0x2000  }
0xf6: {  	[sflag:s17] =	ssyncset.done $0x0  }
0xf7: {  	[sflag:s17] =	ssyncadd.s32 $0xFFFFE000  }
0xf8: {  	[spmem:s2] =	stream.indirect.scatter.add.f32 [tilespmem:s0], [sflag:$0x9], $0x80, s16, s25, $0xb8;
	[tilespmem:$0x1CC00] =	vst v63  }
0xf9: {  	_ =	swait.ge [sflag:s23], $0x2000  }
0xfa: {  	[sflag:s23] =	ssyncset.done $0x0  }
0xfb: {  	[sflag:s23] =	ssyncadd.s32 $0xFFFFE000  }
0xfc: {  	[tilespmem:s0], [sflag:$0x4] =	stream.indirect.gather [hbm4b:s4+s25], $0x80, s18, s25, $0xb8;
	[tilespmem:$0x1CC00] =	vst v63  }
0xfd: {  	_ =	swait.ge [sflag:s9], $0x2000  }
0xfe: {  	[sflag:s9] =	ssyncset.done $0x0  }
0xff: {  	[sflag:s9] =	ssyncadd.s32 $0xFFFFE000  }
0x100: {  	[spmem:s2] =	stream.indirect.scatter.add.f32 [tilespmem:s5], [sflag:$0x9], $0x80, s19, s25, $0xb8;
	[tilespmem:$0x1CC00] =	vst v63  }
0x101: {  	_ =	swait.ge [sflag:s23], $0x2000  }
0x102: {  	[sflag:s23] =	ssyncset.done $0x0  }
0x103: {  	s12 =	simm.s32 @p0 $0x2;
	[sflag:s23] =	ssyncadd.s32 $0xFFFFE000  }
0x104: {  	_ =	swait.ge @p0 [sflag:s12], $0x2000  }
0x105: {  	s13 =	simm.s32 @p0 $0xA80;
	[sflag:s12] =	ssyncset.done @p0 $0x0  }
0x106: {  	s24 =	simm.s32 @p0 $0x3000;
	[sflag:s12] =	ssyncadd.s32 @p0 $0xFFFFE000;
	s12 =	simm.s32 @p0 $0x40  }
0x107: {  	[spmem:s2] =	stream.indirect.scatter.add.f32 @p0 [tilespmem:s24], [sflag:$0x9], $0x80, s13, s12, $0xb8;
	[tilespmem:$0x1CC00] =	vst v63  }
0x108: {  	s12 =	simm.s32 @p0 $0x9  }
0x109: {  	_ =	swait.ge @p0 [sflag:s12], $0x2000  }
0x10a: {  	s13 =	simm.s32 @!p0 $0x400;
	[sflag:s12] =	ssyncset.done @p0 $0x0  }
0x10b: {  	s24 =	simm.s32 @!p0 $0x1000;
	[sflag:s12] =	ssyncadd.s32 @p0 $0xFFFFE000;
	s12 =	simm.s32 @!p0 $0x40  }
0x10c: {  	[tilespmem:s24], [sflag:$0x1] =	stream.indirect.gather @!p0 [hbm4b:s4+s12], $0x80, s13, s12, $0xb8;
	[tilespmem:$0x1CC00] =	vst v63  }
0x10d: {  	s13 =	simm.s32 @!p0 $0x2  }
0x10e: {  	_ =	swait.ge @!p0 [sflag:s13], $0x2000  }
0x10f: {  	[sflag:s13] =	ssyncset.done @!p0 $0x0  }
0x110: {  	s24 =	simm.s32 @!p0 $0x3000;
	[sflag:s13] =	ssyncadd.s32 @!p0 $0xFFFFE000;
	s13 =	simm.s32 @!p0 $0xA80  }
0x111: {  	[spmem:s2] =	stream.indirect.scatter.add.f32 @!p0 [tilespmem:s24], [sflag:$0x9], $0x80, s13, s12, $0xb8;
	[tilespmem:$0x1CC00] =	vst v63  }
0x112: {  	s13 =	simm.s32 @!p0 $0x9  }
0x113: {  	_ =	swait.ge @!p0 [sflag:s13], $0x2000  }
0x114: {  	[sflag:s13] =	ssyncset.done @!p0 $0x0  }
0x115: {  	[sflag:s13] =	ssyncadd.s32 @!p0 $0xFFFFE000;
	s13 =	simm.s32 @!p0 $0x480  }
0x116: {  	[tilespmem:s24], [sflag:$0x2] =	stream.indirect.gather @!p0 [hbm4b:s4+s12], $0x80, s13, s12, $0xb8;
	[tilespmem:$0x1CC00] =	vst v63  }
0x117: {  	_ =	swait.ge [sflag:s14], $0x2000  }
0x118: {  	p0 =	sne.s32 s22, $0x12;
	[sflag:s14] =	ssyncset.done $0x0  }
.Ltmp6:
0x119: {  	[sflag:s14] =	ssyncadd.s32 $0xFFFFE000;
	(pc) =	sbr.rel @!p0 .LBB2_6-.Ltmp6, $4  }
0x11a: {  	[spmem:s2] =	stream.indirect.scatter.add.f32 [tilespmem:s30], [sflag:$0x9], $0x80, s20, s25, $0xb8;
	[tilespmem:$0x1CC00] =	vst v63  }
0x11b: {  	_ =	swait.ge [sflag:s23], $0x2000  }
0x11c: {  	[sflag:s23] =	ssyncset.done $0x0  }
0x11d: {  	[sflag:s23] =	ssyncadd.s32 $0xFFFFE000  }
0x11e: {  	s12 =	simm.s32 $0x500  }
0x11f: {  	[tilespmem:s30], [sflag:$0x3] =	stream.indirect.gather [hbm4b:s4+s25], $0x80, s12, s25, $0xb8;
	[tilespmem:$0x1CC00] =	vst v63  }
0x120: {  	_ =	swait.ge [sflag:s17], $0x2000  }
0x121: {  	[sflag:s17] =	ssyncset.done $0x0  }
0x122: {  	[sflag:s17] =	ssyncadd.s32 $0xFFFFE000  }
0x123: {  	[spmem:s2] =	stream.indirect.scatter.add.f32 [tilespmem:s0], [sflag:$0x9], $0x80, s21, s25, $0xb8;
	[tilespmem:$0x1CC00] =	vst v63  }
0x124: {  	_ =	swait.ge [sflag:s23], $0x2000  }
0x125: {  	[sflag:s23] =	ssyncset.done $0x0  }
0x126: {  	s24 =	simm.s32 $0x580;
	[sflag:s23] =	ssyncadd.s32 $0xFFFFE000  }
0x127: {  	[tilespmem:s0], [sflag:$0x4] =	stream.indirect.gather [hbm4b:s4+s25], $0x80, s24, s25, $0xb8;
	[tilespmem:$0x1CC00] =	vst v63  }
.Ltmp7:
0x128: {  	p0 =	sgt.u32 s22, $0x10;
	(pc) =	sbr.rel .LBB2_9-.Ltmp7, $4  }
0x129: {  	s12 =	simm.s32 @!p0 $0x0  }
0x12a: {  	[tilespmem:s12], [sflag:$0x5] =	stream.linear.gather @!p0 [hbm4b:s10+s12], $0x400, $0x38;
	[tilespmem:$0x1CC00] =	vst v63  }
0x12b: {  	s13 =	simm.s32 @!p0 $0x800  }
0x12c: {  	[tilespmem:s13], [sflag:$0x7] =	stream.linear.gather @!p0 [hbm4b:s8+s12], $0x400, $0x38;
	[tilespmem:$0x1CC00] =	vst v63  }
.LBB2_11:
0x12d: {  	_ =	sfence.sel $0x180000  }
0x12e: {  	[bflag:$0x0] =	sbarrier.arrive $0xFFFF  }
0x12f: {  	_ =	strace $0x90000047  }
0x130: {  	s0 =	stileid.u32;
	[bflag:$0x2] =	sbarrier.arrive $0xFFFF  }
0x131: {  	p0 =	sne.s32 s0, $0x0;
	s0 =	rddreg [dreg:$0x3]  }
0x132: {  	s0 =	sadd.s32 @!p0 $0x100000, s0  }
0x133: {  	[sflag:s0] =	ssyncadd.tile.s32 @!p0 $0x1;
	_ =	shalt  }
.Lfunc_end2:
_tile_overlayer_lowered:
.L_overlay_start_2:
0x134: {  	(tag) =	ssettag $0x2  }
0x135: {  	s0 =	rddreg [dreg:$0x0];
	s2 =	stileid.u32  }
0x136: {  	s1 =	rddreg [dreg:$0x1];
	p0 =	sne.s32 s2, $0x0  }
0x137: {  	s3 =	rddreg [dreg:$0x2];
	[bflag:$0x3] =	sbarrier.arrive $0xFFFF;
	s2 =	simm.s32 @!p0 $0x1C09  }
0x138: {  	[timem:s3], [sflag:s2] =	dma.local @!p0 [hbm:s0], s1  }
0x139: {  	s0 =	simm.s32 @!p0 $0x9  }
0x13a: {  	_ =	swait.ge @!p0 [sflag:s0], s1  }
0x13b: {  	s1 =	ssub.s32 @!p0 $0x0, s1;
	[sflag:s0] =	ssyncset.done @!p0 $0x0  }
0x13c: {  	[sflag:s0] =	ssyncadd.s32 @!p0 s1  }
0x13d: {  	[bflag:$0x3] =	sbarrier.arrive $0xFFFF  }
0x13e: {  	_ =	shalt  }

</sc_bundles>
